<compile_context>
chip_gen: v7x
topology: tpu7x:2x2x1
jax: 0.10.2.dev20260603
libtpu: 0.0.44.dev20260713+nightly
codegen_flags: <defaults>
</compile_context>

<pallas_src>
import functools

import jax
import jax.numpy as jnp
from jax import lax
from jax.experimental import pallas as pl
from jax.experimental.pallas import tpu as pltpu
from jax.experimental.pallas import tpu_sc as plsc

_NUM_LAYERS = 16
_NUM_SLOTS = 4096
_ROW_DIM = 512
_NUM_LOCS = 4096

_NC = 2
_NS = 16
_NW = _NC * _NS
_SLOTS_PER_TILE = (_NUM_LAYERS * _NUM_SLOTS) // _NW
_CHUNK = 32
_NBUF = 4


def _body(cache_hbm, tgt_hbm, src_hbm, out_hbm,
          tgt_v, src_v, final_v, idx_vs, buf_vs, gsems, ssems):
    wid = lax.axis_index("s") * _NC + lax.axis_index("c")

    pltpu.sync_copy(tgt_hbm, tgt_v)
    pltpu.sync_copy(src_hbm, src_v)

    lane = lax.iota(jnp.int32, 16)

    def init_body(j, _):
        final_v[pl.ds(j * 16, 16)] = lane + j * 16
        return 0

    lax.fori_loop(0, _NUM_SLOTS // 16, init_body, 0)

    next_lane = jnp.minimum(lane + 1, 15)

    def scatter_body(i, _):
        t = tgt_v[pl.ds(i * 16, 16)]
        s = src_v[pl.ds(i * 16, 16)]
        key_sorted, s_sorted = plsc.sort_key_val(t * 16 + lane, s)
        t_sorted = key_sorted >> 4
        t_next = t_sorted.at[next_lane].get(mode="promise_in_bounds")
        is_last = (t_sorted != t_next) | (lane == 15)
        plsc.store_scatter(final_v, [t_sorted], s_sorted, mask=is_last)
        return 0

    lax.fori_loop(0, _NUM_LOCS // 16, scatter_body, 0)

    layer = wid // 2
    half = wid % 2
    layer_off = layer * _NUM_SLOTS
    t0_base = half * (_NUM_SLOTS // 2)

    def build_idx(idx_v, t0):
        def idx_body(j, _):
            idx_v[pl.ds(j * 16, 16)] = (
                final_v[pl.ds(t0 + j * 16, 16)] + layer_off)
            return 0

        lax.fori_loop(0, _CHUNK // 16, idx_body, 0)

    def group_body(g, _):
        for b in range(_NBUF):
            t0 = t0_base + (g * _NBUF + b) * _CHUNK

            @pl.when(g > 0)
            def _wait_prev_store():
                pltpu.make_async_copy(
                    buf_vs[b], out_hbm.at[pl.ds(layer_off + t0, _CHUNK)],
                    ssems[b]).wait()

            build_idx(idx_vs[b], t0)
            pltpu.async_copy(cache_hbm.at[idx_vs[b]], buf_vs[b], gsems[b])
        for b in range(_NBUF):
            t0 = t0_base + (g * _NBUF + b) * _CHUNK
            pltpu.make_async_copy(cache_hbm.at[idx_vs[b]], buf_vs[b],
                                  gsems[b]).wait()
            pltpu.async_copy(buf_vs[b],
                             out_hbm.at[pl.ds(layer_off + t0, _CHUNK)],
                             ssems[b])
        return 0

    ngroups = (_NUM_SLOTS // 2) // (_CHUNK * _NBUF)
    lax.fori_loop(0, ngroups, group_body, 0)
    for b in range(_NBUF):
        t0 = t0_base + ((ngroups - 1) * _NBUF + b) * _CHUNK
        pltpu.make_async_copy(
            buf_vs[b], out_hbm.at[pl.ds(layer_off + t0, _CHUNK)],
            ssems[b]).wait()


@jax.jit
def _sc_copy(cache2d, tgt32, src32):
    mesh = plsc.VectorSubcoreMesh(core_axis_name="c", subcore_axis_name="s")
    return pl.kernel(
        _body,
        out_type=jax.ShapeDtypeStruct(
            (_NUM_LAYERS * _NUM_SLOTS, _ROW_DIM), jnp.float32),
        mesh=mesh,
        compiler_params=pltpu.CompilerParams(needs_layout_passes=False),
        scratch_types=[
            pltpu.VMEM((_NUM_LOCS,), jnp.int32),
            pltpu.VMEM((_NUM_LOCS,), jnp.int32),
            pltpu.VMEM((_NUM_SLOTS,), jnp.int32),
            [pltpu.VMEM((_CHUNK,), jnp.int32) for _ in range(_NBUF)],
            [pltpu.VMEM((_CHUNK, _ROW_DIM), jnp.float32)
             for _ in range(_NBUF)],
            [pltpu.SemaphoreType.DMA for _ in range(_NBUF)],
            [pltpu.SemaphoreType.DMA for _ in range(_NBUF)],
        ],
    )(cache2d, tgt32, src32)


def kernel(kv_cache, tgt_loc, src_loc):
    cache2d = kv_cache.reshape(_NUM_LAYERS * _NUM_SLOTS, _ROW_DIM)
    out2d = _sc_copy(cache2d,
                     tgt_loc.astype(jnp.int32),
                     src_loc.astype(jnp.int32))
    return out2d.reshape(kv_cache.shape)

# --- scband reference (transcript-rebuilt; emitter-appended) ---
"""Pipeline reference for scband-model-32633161515878 (READ-ONLY COPY).

The authoritative reference and input builder live on the scoring server;
editing this copy changes nothing except your own understanding.
"""

import jax, jax.numpy as jnp
import numpy as np

NUM_LAYERS = 16
NUM_SLOTS = 4096
ROW_DIM = 512  # 512 float32 = 2048 bytes per slot row (the 'stride' in the triton kernel)
NUM_LOCS = 4096

def setup_inputs(seed: int = 0) -> dict:
    key = jax.random.key(seed)
    k1, k2, k3 = jax.random.split(key, 3)
    # The original kernel operates on raw device pointers (data_ptrs/strides).
    # We materialize the underlying KV cache explicitly: one row of ROW_DIM floats
    # per slot, per layer. strides are uniform = ROW_DIM*4 bytes.
    kv_cache = jax.random.normal(k1, (NUM_LAYERS, NUM_SLOTS, ROW_DIM), dtype=jnp.float32)
    src_loc = jax.random.randint(k2, (NUM_LOCS,), 0, NUM_SLOTS, dtype=jnp.int64)
    tgt_loc = jax.random.randint(k3, (NUM_LOCS,), 0, NUM_SLOTS, dtype=jnp.int64)
    return {"kv_cache": kv_cache, "tgt_loc": tgt_loc, "src_loc": src_loc}

def reference(kv_cache, tgt_loc, src_loc):
    # Faithful semantics of copy_all_layer_kv_cache_tiled:
    # for every layer, copy the full byte-row at slot src_loc[i] into slot tgt_loc[i].
    # The triton kernel loads all sources before storing (safe in-place copy);
    # functional gather-then-scatter reproduces that: all gathered values come
    # from the pre-copy cache state.
    src_rows = jnp.take(kv_cache, src_loc, axis=1)           # gather  [L, num_locs, D]
    new_cache = kv_cache.at[:, tgt_loc, :].set(src_rows)     # scatter-overwrite
    return new_cache

if __name__ == "__main__":
    import jax
    _d = setup_inputs()
    print(jax.jit(kernel)(*tuple(_d.values())))

</pallas_src>

<mosaic_0001>
#map = affine_map<(d0, d1) -> (0, 0)>
#map1 = affine_map<(d0, d1) -> (0)>
module attributes {stable_mosaic.version = 14 : i64} {
  func.func @_body(%arg0: i32, %arg1: i32, %arg2: memref<65536x512xf32, #tpu.memory_space<hbm>>, %arg3: memref<4096xi32, #tpu.memory_space<hbm>>, %arg4: memref<4096xi32, #tpu.memory_space<hbm>>, %arg5: memref<65536x512xf32, #tpu.memory_space<hbm>>, %arg6: memref<4096xi32, #tpu.memory_space<vmem>>, %arg7: memref<4096xi32, #tpu.memory_space<vmem>>, %arg8: memref<4096xi32, #tpu.memory_space<vmem>>, %arg9: memref<32xi32, #tpu.memory_space<vmem>>, %arg10: memref<32xi32, #tpu.memory_space<vmem>>, %arg11: memref<32xi32, #tpu.memory_space<vmem>>, %arg12: memref<32xi32, #tpu.memory_space<vmem>>, %arg13: memref<32x512xf32, #tpu.memory_space<vmem>>, %arg14: memref<32x512xf32, #tpu.memory_space<vmem>>, %arg15: memref<32x512xf32, #tpu.memory_space<vmem>>, %arg16: memref<32x512xf32, #tpu.memory_space<vmem>>, %arg17: memref<!tpu.dma_semaphore, #tpu.memory_space<semaphore_mem>>, %arg18: memref<!tpu.dma_semaphore, #tpu.memory_space<semaphore_mem>>, %arg19: memref<!tpu.dma_semaphore, #tpu.memory_space<semaphore_mem>>, %arg20: memref<!tpu.dma_semaphore, #tpu.memory_space<semaphore_mem>>, %arg21: memref<!tpu.dma_semaphore, #tpu.memory_space<semaphore_mem>>, %arg22: memref<!tpu.dma_semaphore, #tpu.memory_space<semaphore_mem>>, %arg23: memref<!tpu.dma_semaphore, #tpu.memory_space<semaphore_mem>>, %arg24: memref<!tpu.dma_semaphore, #tpu.memory_space<semaphore_mem>>) attributes {dimension_semantics = [#tpu.dimension_semantics<core_parallel>, #tpu.dimension_semantics<subcore_parallel>], iteration_bounds = array<i64: 2, 16>, scalar_prefetch = 0 : i64, scratch_operands = 19 : i64, tpu.core_type = #tpu.core_type<sc_vector_subcore>, window_params = [{transform_indices = #map}, {transform_indices = #map1}, {transform_indices = #map1}, {transform_indices = #map}]} {
    %mul3A = arith.constant 2 : i32
    %mul3A_0 = arith.muli %arg1, %mul3A : i32
    %add3A = arith.addi %mul3A_0, %arg0 : i32
    "tpu.region"() ({
      %run_scoped3A = tpu.sem_alloc : memref<!tpu.dma_semaphore, #tpu.memory_space<semaphore_mem>>
      tpu.enqueue_dma source(%arg3 : memref<4096xi32, #tpu.memory_space<hbm>>) target(%arg6 : memref<4096xi32, #tpu.memory_space<vmem>>) target_semaphore(%run_scoped3A : memref<!tpu.dma_semaphore, #tpu.memory_space<semaphore_mem>>)
      tpu.wait_dma2 semaphore(%run_scoped3A : memref<!tpu.dma_semaphore, #tpu.memory_space<semaphore_mem>>) src(%arg3 : memref<4096xi32, #tpu.memory_space<hbm>>) dst(%arg6 : memref<4096xi32, #tpu.memory_space<vmem>>)
      tpu.yield
    }) : () -> ()
    "tpu.region"() ({
      %run_scoped3A = tpu.sem_alloc : memref<!tpu.dma_semaphore, #tpu.memory_space<semaphore_mem>>
      tpu.enqueue_dma source(%arg4 : memref<4096xi32, #tpu.memory_space<hbm>>) target(%arg7 : memref<4096xi32, #tpu.memory_space<vmem>>) target_semaphore(%run_scoped3A : memref<!tpu.dma_semaphore, #tpu.memory_space<semaphore_mem>>)
      tpu.wait_dma2 semaphore(%run_scoped3A : memref<!tpu.dma_semaphore, #tpu.memory_space<semaphore_mem>>) src(%arg4 : memref<4096xi32, #tpu.memory_space<hbm>>) dst(%arg7 : memref<4096xi32, #tpu.memory_space<vmem>>)
      tpu.yield
    }) : () -> ()
    %iota3A = tpu.iota {dimensions = array<i32: 0>} : vector<16xi32>
    %scan3A = arith.constant 0 : i32
    %scan3A_1 = arith.constant 0 : i32
    %scan3A_2 = arith.constant 256 : i32
    %scan3A_3 = arith.addi %scan3A_1, %scan3A_2 : i32
    %scan3A_4 = arith.constant 1 : i32
    %scan3A_5 = scf.for %scan3A_87 = %scan3A_1 to %scan3A_3 step %scan3A_4 iter_args(%scan3A_88 = %scan3A) -> (i32)  : i32 {
      %mul3A_89 = arith.constant 16 : i32
      %mul3A_90 = arith.muli %scan3A_87, %mul3A_89 : i32
      %add3A_91 = vector.broadcast %mul3A_90 : i32 to vector<16xi32>
      %add3A_92 = arith.addi %iota3A, %add3A_91 : vector<16xi32>
      %mul3A_93 = arith.constant 16 : i32
      %mul3A_94 = arith.muli %scan3A_87, %mul3A_93 : i32
      %swap3A = arith.index_cast %mul3A_94 : i32 to index
      %swap3A_95 = tpu.vector_load %arg8[%swap3A] {strides = array<i32>} : memref<4096xi32, #tpu.memory_space<vmem>>, vector<16xi32>,
      tpu.vector_store %arg8[%swap3A], %add3A_92 {strides = array<i32>} : memref<4096xi32, #tpu.memory_space<vmem>>, vector<16xi32>,
      %scan3A_96 = arith.constant 0 : i32
      scf.yield %scan3A_96 : i32
    }
    %scan3A_6 = arith.constant 256 : i32
    %add3A_7 = arith.constant 1 : i32
    %add3A_8 = vector.broadcast %add3A_7 : i32 to vector<16xi32>
    %add3A_9 = arith.addi %iota3A, %add3A_8 : vector<16xi32>
    %min3A = arith.constant 15 : i32
    %min3A_10 = vector.broadcast %min3A : i32 to vector<16xi32>
    %min3A_11 = arith.minsi %add3A_9, %min3A_10 : vector<16xi32>
    %scan3A_12 = arith.constant 0 : i32
    %scan3A_13 = arith.constant 0 : i32
    %scan3A_14 = arith.constant 256 : i32
    %scan3A_15 = arith.addi %scan3A_13, %scan3A_14 : i32
    %scan3A_16 = arith.constant 1 : i32
    %scan3A_17 = scf.for %scan3A_87 = %scan3A_13 to %scan3A_15 step %scan3A_16 iter_args(%scan3A_88 = %scan3A_12) -> (i32)  : i32 {
      %mul3A_89 = arith.constant 16 : i32
      %mul3A_90 = arith.muli %scan3A_87, %mul3A_89 : i32
      %get3A = arith.index_cast %mul3A_90 : i32 to index
      %get3A_91 = tpu.vector_load %arg6[%get3A] {strides = array<i32>} : memref<4096xi32, #tpu.memory_space<vmem>>, vector<16xi32>,
      %mul3A_92 = arith.constant 16 : i32
      %mul3A_93 = arith.muli %scan3A_87, %mul3A_92 : i32
      %get3A_94 = arith.index_cast %mul3A_93 : i32 to index
      %get3A_95 = tpu.vector_load %arg7[%get3A_94] {strides = array<i32>} : memref<4096xi32, #tpu.memory_space<vmem>>, vector<16xi32>,
      %mul3A_96 = arith.constant 16 : i32
      %mul3A_97 = vector.broadcast %mul3A_96 : i32 to vector<16xi32>
      %mul3A_98 = arith.muli %get3A_91, %mul3A_97 : vector<16xi32>
      %add3A_99 = arith.addi %mul3A_98, %iota3A : vector<16xi32>
      %masked_sort3A = arith.constant dense<true> : vector<16xi1>
      %masked_sort3A_100 = arith.constant -2147483648 : i32
      %masked_sort3A_101 = vector.broadcast %masked_sort3A_100 : i32 to vector<16xi32>
      %masked_sort3A_102 = arith.xori %add3A_99, %masked_sort3A_101 : vector<16xi32>
      %masked_sort3A_103, %masked_sort3A_104, %masked_sort3A_105 = tpu.sort %masked_sort3A_102, %get3A_95 masked %masked_sort3A : (vector<16xi32>, vector<16xi32>, vector<16xi1>) -> (vector<16xi1>, vector<16xi32>, vector<16xi32>)
      %masked_sort3A_106 = arith.xori %masked_sort3A_104, %masked_sort3A_101 : vector<16xi32>
      %shift_right_arithmetic3A = arith.constant 4 : i32
      %shift_right_arithmetic3A_107 = vector.broadcast %shift_right_arithmetic3A : i32 to vector<16xi32>
      %shift_right_arithmetic3A_108 = arith.shrsi %masked_sort3A_106, %shift_right_arithmetic3A_107 : vector<16xi32>
      %lt3A_109 = arith.constant 0 : i32
      %lt3A_110 = vector.broadcast %lt3A_109 : i32 to vector<16xi32>
      %lt3A_111 = arith.cmpi slt, %min3A_11, %lt3A_110 : vector<16xi32>
      %add3A_112 = arith.constant 16 : i32
      %add3A_113 = vector.broadcast %add3A_112 : i32 to vector<16xi32>
      %add3A_114 = arith.addi %min3A_11, %add3A_113 : vector<16xi32>
      %select_n3A_115 = arith.select %lt3A_111, %add3A_114, %min3A_11 : vector<16xi1>, vector<16xi32>
      %broadcast_in_dim3A = vector.shape_cast %select_n3A_115 : vector<16xi32> to vector<16x1xi32>
      %gather3A = vector.shape_cast %broadcast_in_dim3A : vector<16x1xi32> to vector<16xi32>
      %gather3A_116 = tpu.dynamic_gather %shift_right_arithmetic3A_108[%gather3A] in [0] : vector<16xi32>, vector<16xi32> -> vector<16xi32>
      %ne3A_117 = arith.cmpi ne, %shift_right_arithmetic3A_108, %gather3A_116 : vector<16xi32>
      %eq3A_118 = arith.constant 15 : i32
      %eq3A_119 = vector.broadcast %eq3A_118 : i32 to vector<16xi32>
      %eq3A_120 = arith.cmpi eq, %iota3A, %eq3A_119 : vector<16xi32>
      %or3A = arith.ori %ne3A_117, %eq3A_120 : vector<16xi1>
      tpu.vector_store_idx %arg8[%shift_right_arithmetic3A_108], %masked_sort3A_105 masked %or3A : memref<4096xi32, #tpu.memory_space<vmem>>[vector<16xi32>], vector<16xi32>, vector<16xi1>
      %scan3A_121 = arith.constant 0 : i32
      scf.yield %scan3A_121 : i32
    }
    %scan3A_18 = arith.constant 256 : i32
    %jit3A = arith.constant 2 : i32
    %div3A = arith.divsi %add3A, %jit3A : i32
    %sign3A = arith.constant 0 : i32
    %sign3A_19 = arith.cmpi sgt, %add3A, %sign3A : i32
    %sign3A_20 = arith.extui %sign3A_19 : i1 to i32
    %sign3A_21 = arith.constant 0 : i32
    %sign3A_22 = arith.cmpi slt, %add3A, %sign3A_21 : i32
    %sign3A_23 = arith.extui %sign3A_22 : i1 to i32
    %sign3A_24 = arith.subi %sign3A_20, %sign3A_23 : i32
    %sign3A_25 = arith.constant 0 : i32
    %sign3A_26 = arith.cmpi sgt, %jit3A, %sign3A_25 : i32
    %sign3A_27 = arith.extui %sign3A_26 : i1 to i32
    %sign3A_28 = arith.constant 0 : i32
    %sign3A_29 = arith.cmpi slt, %jit3A, %sign3A_28 : i32
    %sign3A_30 = arith.extui %sign3A_29 : i1 to i32
    %sign3A_31 = arith.subi %sign3A_27, %sign3A_30 : i32
    %ne3A = arith.cmpi ne, %sign3A_24, %sign3A_31 : i32
    %rem3A = arith.remsi %add3A, %jit3A : i32
    %ne3A_32 = arith.constant 0 : i32
    %ne3A_33 = arith.cmpi ne, %rem3A, %ne3A_32 : i32
    %and3A = arith.andi %ne3A, %ne3A_33 : i1
    %sub3A = arith.constant 1 : i32
    %sub3A_34 = arith.subi %div3A, %sub3A : i32
    %select_n3A = arith.select %and3A, %sub3A_34, %div3A : i32
    %jit3A_35 = arith.constant 2 : i32
    %eq3A = arith.constant 0 : i32
    %eq3A_36 = arith.cmpi eq, %jit3A_35, %eq3A : i32
    %jit3A_37 = arith.constant 1 : i32
    %select_n3A_38 = arith.select %eq3A_36, %jit3A_37, %jit3A_35 : i32
    %rem3A_39 = arith.remsi %add3A, %select_n3A_38 : i32
    %ne3A_40 = arith.constant 0 : i32
    %ne3A_41 = arith.cmpi ne, %rem3A_39, %ne3A_40 : i32
    %lt3A = arith.constant 0 : i32
    %lt3A_42 = arith.cmpi slt, %rem3A_39, %lt3A : i32
    %lt3A_43 = arith.constant 0 : i32
    %lt3A_44 = arith.cmpi slt, %select_n3A_38, %lt3A_43 : i32
    %ne3A_45 = arith.xori %lt3A_42, %lt3A_44 : i1
    %and3A_46 = arith.andi %ne3A_45, %ne3A_41 : i1
    %add3A_47 = arith.addi %rem3A_39, %select_n3A_38 : i32
    %select_n3A_48 = arith.select %and3A_46, %add3A_47, %rem3A_39 : i32
    %mul3A_49 = arith.constant 4096 : i32
    %mul3A_50 = arith.muli %select_n3A, %mul3A_49 : i32
    %mul3A_51 = arith.constant 2048 : i32
    %mul3A_52 = arith.muli %select_n3A_48, %mul3A_51 : i32
    %scan3A_53 = arith.constant 0 : i32
    %scan3A_54 = arith.constant 0 : i32
    %scan3A_55 = arith.constant 16 : i32
    %scan3A_56 = arith.addi %scan3A_54, %scan3A_55 : i32
    %scan3A_57 = arith.constant 1 : i32
    %scan3A_58 = scf.for %scan3A_87 = %scan3A_54 to %scan3A_56 step %scan3A_57 iter_args(%scan3A_88 = %scan3A_53) -> (i32)  : i32 {
      %mul3A_89 = arith.constant 4 : i32
      %mul3A_90 = arith.muli %scan3A_87, %mul3A_89 : i32
      %add3A_91 = arith.constant 0 : i32
      %add3A_92 = arith.addi %mul3A_90, %add3A_91 : i32
      %mul3A_93 = arith.constant 32 : i32
      %mul3A_94 = arith.muli %add3A_92, %mul3A_93 : i32
      %add3A_95 = arith.addi %mul3A_52, %mul3A_94 : i32
      %gt3A = arith.constant 0 : i32
      %gt3A_96 = arith.cmpi sgt, %scan3A_87, %gt3A : i32
      %convert_element_type3A = arith.extui %gt3A_96 : i1 to i32
      %cond3A = arith.constant 0 : i32
      %cond3A_97 = arith.cmpi ne, %convert_element_type3A, %cond3A : i32
      scf.if %cond3A_97 {
        %add3A_234 = arith.addi %mul3A_50, %add3A_95 : i32
        %dma_wait3A_235 = arith.constant 0 : i32
        %dma_wait3A_236 = tpu.memref_slice %arg5[%add3A_234, %dma_wait3A_235] : memref<65536x512xf32, #tpu.memory_space<hbm>> -> memref<32x512xf32, #tpu.memory_space<hbm>>
        %dma_wait3A_237 = arith.constant 0 : i32
        %dma_wait3A_238 = tpu.memref_slice %arg5[%add3A_234, %dma_wait3A_237] : memref<65536x512xf32, #tpu.memory_space<hbm>> -> memref<32x512xf32, #tpu.memory_space<hbm>>
        tpu.wait_dma2 semaphore(%arg21 : memref<!tpu.dma_semaphore, #tpu.memory_space<semaphore_mem>>) src(%arg13 : memref<32x512xf32, #tpu.memory_space<vmem>>) dst(%dma_wait3A_238 : memref<32x512xf32, #tpu.memory_space<hbm>>)
      } else {
      }
      %scan3A_98 = arith.constant 0 : i32
      %scan3A_99 = arith.constant 0 : i32
      %scan3A_100 = arith.constant 2 : i32
      %scan3A_101 = arith.addi %scan3A_99, %scan3A_100 : i32
      %scan3A_102 = arith.constant 1 : i32
      %scan3A_103 = scf.for %scan3A_234 = %scan3A_99 to %scan3A_101 step %scan3A_102 iter_args(%scan3A_235 = %scan3A_98) -> (i32)  : i32 {
        %mul3A_236 = arith.constant 16 : i32
        %mul3A_237 = arith.muli %scan3A_234, %mul3A_236 : i32
        %add3A_238 = arith.addi %add3A_95, %mul3A_237 : i32
        %get3A = arith.index_cast %add3A_238 : i32 to index
        %get3A_239 = tpu.vector_load %arg8[%get3A] {strides = array<i32>} : memref<4096xi32, #tpu.memory_space<vmem>>, vector<16xi32>,
        %add3A_240 = vector.broadcast %mul3A_50 : i32 to vector<16xi32>
        %add3A_241 = arith.addi %get3A_239, %add3A_240 : vector<16xi32>
        %mul3A_242 = arith.constant 16 : i32
        %mul3A_243 = arith.muli %scan3A_234, %mul3A_242 : i32
        %swap3A = arith.index_cast %mul3A_243 : i32 to index
        %swap3A_244 = tpu.vector_load %arg9[%swap3A] {strides = array<i32>} : memref<32xi32, #tpu.memory_space<vmem>>, vector<16xi32>,
        tpu.vector_store %arg9[%swap3A], %add3A_241 {strides = array<i32>} : memref<32xi32, #tpu.memory_space<vmem>>, vector<16xi32>,
        %scan3A_245 = arith.constant 0 : i32
        scf.yield %scan3A_245 : i32
      }
      %scan3A_104 = arith.constant 2 : i32
      %dma_start3A = arith.constant 0 : i32
      %dma_start3A_105 = arith.constant 0 : i32
      %dma_start3A_106 = tpu.memref_slice %arg2[%dma_start3A, %dma_start3A_105] : memref<65536x512xf32, #tpu.memory_space<hbm>> -> memref<65536x512xf32, #tpu.memory_space<hbm>>
      tpu.enqueue_indirect_dma source(%dma_start3A_106 : memref<65536x512xf32, #tpu.memory_space<hbm>>) target(%arg13 : memref<32x512xf32, #tpu.memory_space<vmem>>) offsets(%arg9 : memref<32xi32, #tpu.memory_space<vmem>>) semaphore(%arg17 : memref<!tpu.dma_semaphore, #tpu.memory_space<semaphore_mem>>)
      %mul3A_107 = arith.constant 4 : i32
      %mul3A_108 = arith.muli %scan3A_87, %mul3A_107 : i32
      %add3A_109 = arith.constant 1 : i32
      %add3A_110 = arith.addi %mul3A_108, %add3A_109 : i32
      %mul3A_111 = arith.constant 32 : i32
      %mul3A_112 = arith.muli %add3A_110, %mul3A_111 : i32
      %add3A_113 = arith.addi %mul3A_52, %mul3A_112 : i32
      %gt3A_114 = arith.constant 0 : i32
      %gt3A_115 = arith.cmpi sgt, %scan3A_87, %gt3A_114 : i32
      %convert_element_type3A_116 = arith.extui %gt3A_115 : i1 to i32
      %cond3A_117 = arith.constant 0 : i32
      %cond3A_118 = arith.cmpi ne, %convert_element_type3A_116, %cond3A_117 : i32
      scf.if %cond3A_118 {
        %add3A_234 = arith.addi %mul3A_50, %add3A_113 : i32
        %dma_wait3A_235 = arith.constant 0 : i32
        %dma_wait3A_236 = tpu.memref_slice %arg5[%add3A_234, %dma_wait3A_235] : memref<65536x512xf32, #tpu.memory_space<hbm>> -> memref<32x512xf32, #tpu.memory_space<hbm>>
        %dma_wait3A_237 = arith.constant 0 : i32
        %dma_wait3A_238 = tpu.memref_slice %arg5[%add3A_234, %dma_wait3A_237] : memref<65536x512xf32, #tpu.memory_space<hbm>> -> memref<32x512xf32, #tpu.memory_space<hbm>>
        tpu.wait_dma2 semaphore(%arg22 : memref<!tpu.dma_semaphore, #tpu.memory_space<semaphore_mem>>) src(%arg14 : memref<32x512xf32, #tpu.memory_space<vmem>>) dst(%dma_wait3A_238 : memref<32x512xf32, #tpu.memory_space<hbm>>)
      } else {
      }
      %scan3A_119 = arith.constant 0 : i32
      %scan3A_120 = arith.constant 0 : i32
      %scan3A_121 = arith.constant 2 : i32
      %scan3A_122 = arith.addi %scan3A_120, %scan3A_121 : i32
      %scan3A_123 = arith.constant 1 : i32
      %scan3A_124 = scf.for %scan3A_234 = %scan3A_120 to %scan3A_122 step %scan3A_123 iter_args(%scan3A_235 = %scan3A_119) -> (i32)  : i32 {
        %mul3A_236 = arith.constant 16 : i32
        %mul3A_237 = arith.muli %scan3A_234, %mul3A_236 : i32
        %add3A_238 = arith.addi %add3A_113, %mul3A_237 : i32
        %get3A = arith.index_cast %add3A_238 : i32 to index
        %get3A_239 = tpu.vector_load %arg8[%get3A] {strides = array<i32>} : memref<4096xi32, #tpu.memory_space<vmem>>, vector<16xi32>,
        %add3A_240 = vector.broadcast %mul3A_50 : i32 to vector<16xi32>
        %add3A_241 = arith.addi %get3A_239, %add3A_240 : vector<16xi32>
        %mul3A_242 = arith.constant 16 : i32
        %mul3A_243 = arith.muli %scan3A_234, %mul3A_242 : i32
        %swap3A = arith.index_cast %mul3A_243 : i32 to index
        %swap3A_244 = tpu.vector_load %arg10[%swap3A] {strides = array<i32>} : memref<32xi32, #tpu.memory_space<vmem>>, vector<16xi32>,
        tpu.vector_store %arg10[%swap3A], %add3A_241 {strides = array<i32>} : memref<32xi32, #tpu.memory_space<vmem>>, vector<16xi32>,
        %scan3A_245 = arith.constant 0 : i32
        scf.yield %scan3A_245 : i32
      }
      %scan3A_125 = arith.constant 2 : i32
      %dma_start3A_126 = arith.constant 0 : i32
      %dma_start3A_127 = arith.constant 0 : i32
      %dma_start3A_128 = tpu.memref_slice %arg2[%dma_start3A_126, %dma_start3A_127] : memref<65536x512xf32, #tpu.memory_space<hbm>> -> memref<65536x512xf32, #tpu.memory_space<hbm>>
      tpu.enqueue_indirect_dma source(%dma_start3A_128 : memref<65536x512xf32, #tpu.memory_space<hbm>>) target(%arg14 : memref<32x512xf32, #tpu.memory_space<vmem>>) offsets(%arg10 : memref<32xi32, #tpu.memory_space<vmem>>) semaphore(%arg18 : memref<!tpu.dma_semaphore, #tpu.memory_space<semaphore_mem>>)
      %mul3A_129 = arith.constant 4 : i32
      %mul3A_130 = arith.muli %scan3A_87, %mul3A_129 : i32
      %add3A_131 = arith.constant 2 : i32
      %add3A_132 = arith.addi %mul3A_130, %add3A_131 : i32
      %mul3A_133 = arith.constant 32 : i32
      %mul3A_134 = arith.muli %add3A_132, %mul3A_133 : i32
      %add3A_135 = arith.addi %mul3A_52, %mul3A_134 : i32
      %gt3A_136 = arith.constant 0 : i32
      %gt3A_137 = arith.cmpi sgt, %scan3A_87, %gt3A_136 : i32
      %convert_element_type3A_138 = arith.extui %gt3A_137 : i1 to i32
      %cond3A_139 = arith.constant 0 : i32
      %cond3A_140 = arith.cmpi ne, %convert_element_type3A_138, %cond3A_139 : i32
      scf.if %cond3A_140 {
        %add3A_234 = arith.addi %mul3A_50, %add3A_135 : i32
        %dma_wait3A_235 = arith.constant 0 : i32
        %dma_wait3A_236 = tpu.memref_slice %arg5[%add3A_234, %dma_wait3A_235] : memref<65536x512xf32, #tpu.memory_space<hbm>> -> memref<32x512xf32, #tpu.memory_space<hbm>>
        %dma_wait3A_237 = arith.constant 0 : i32
        %dma_wait3A_238 = tpu.memref_slice %arg5[%add3A_234, %dma_wait3A_237] : memref<65536x512xf32, #tpu.memory_space<hbm>> -> memref<32x512xf32, #tpu.memory_space<hbm>>
        tpu.wait_dma2 semaphore(%arg23 : memref<!tpu.dma_semaphore, #tpu.memory_space<semaphore_mem>>) src(%arg15 : memref<32x512xf32, #tpu.memory_space<vmem>>) dst(%dma_wait3A_238 : memref<32x512xf32, #tpu.memory_space<hbm>>)
      } else {
      }
      %scan3A_141 = arith.constant 0 : i32
      %scan3A_142 = arith.constant 0 : i32
      %scan3A_143 = arith.constant 2 : i32
      %scan3A_144 = arith.addi %scan3A_142, %scan3A_143 : i32
      %scan3A_145 = arith.constant 1 : i32
      %scan3A_146 = scf.for %scan3A_234 = %scan3A_142 to %scan3A_144 step %scan3A_145 iter_args(%scan3A_235 = %scan3A_141) -> (i32)  : i32 {
        %mul3A_236 = arith.constant 16 : i32
        %mul3A_237 = arith.muli %scan3A_234, %mul3A_236 : i32
        %add3A_238 = arith.addi %add3A_135, %mul3A_237 : i32
        %get3A = arith.index_cast %add3A_238 : i32 to index
        %get3A_239 = tpu.vector_load %arg8[%get3A] {strides = array<i32>} : memref<4096xi32, #tpu.memory_space<vmem>>, vector<16xi32>,
        %add3A_240 = vector.broadcast %mul3A_50 : i32 to vector<16xi32>
        %add3A_241 = arith.addi %get3A_239, %add3A_240 : vector<16xi32>
        %mul3A_242 = arith.constant 16 : i32
        %mul3A_243 = arith.muli %scan3A_234, %mul3A_242 : i32
        %swap3A = arith.index_cast %mul3A_243 : i32 to index
        %swap3A_244 = tpu.vector_load %arg11[%swap3A] {strides = array<i32>} : memref<32xi32, #tpu.memory_space<vmem>>, vector<16xi32>,
        tpu.vector_store %arg11[%swap3A], %add3A_241 {strides = array<i32>} : memref<32xi32, #tpu.memory_space<vmem>>, vector<16xi32>,
        %scan3A_245 = arith.constant 0 : i32
        scf.yield %scan3A_245 : i32
      }
      %scan3A_147 = arith.constant 2 : i32
      %dma_start3A_148 = arith.constant 0 : i32
      %dma_start3A_149 = arith.constant 0 : i32
      %dma_start3A_150 = tpu.memref_slice %arg2[%dma_start3A_148, %dma_start3A_149] : memref<65536x512xf32, #tpu.memory_space<hbm>> -> memref<65536x512xf32, #tpu.memory_space<hbm>>
      tpu.enqueue_indirect_dma source(%dma_start3A_150 : memref<65536x512xf32, #tpu.memory_space<hbm>>) target(%arg15 : memref<32x512xf32, #tpu.memory_space<vmem>>) offsets(%arg11 : memref<32xi32, #tpu.memory_space<vmem>>) semaphore(%arg19 : memref<!tpu.dma_semaphore, #tpu.memory_space<semaphore_mem>>)
      %mul3A_151 = arith.constant 4 : i32
      %mul3A_152 = arith.muli %scan3A_87, %mul3A_151 : i32
      %add3A_153 = arith.constant 3 : i32
      %add3A_154 = arith.addi %mul3A_152, %add3A_153 : i32
      %mul3A_155 = arith.constant 32 : i32
      %mul3A_156 = arith.muli %add3A_154, %mul3A_155 : i32
      %add3A_157 = arith.addi %mul3A_52, %mul3A_156 : i32
      %gt3A_158 = arith.constant 0 : i32
      %gt3A_159 = arith.cmpi sgt, %scan3A_87, %gt3A_158 : i32
      %convert_element_type3A_160 = arith.extui %gt3A_159 : i1 to i32
      %cond3A_161 = arith.constant 0 : i32
      %cond3A_162 = arith.cmpi ne, %convert_element_type3A_160, %cond3A_161 : i32
      scf.if %cond3A_162 {
        %add3A_234 = arith.addi %mul3A_50, %add3A_157 : i32
        %dma_wait3A_235 = arith.constant 0 : i32
        %dma_wait3A_236 = tpu.memref_slice %arg5[%add3A_234, %dma_wait3A_235] : memref<65536x512xf32, #tpu.memory_space<hbm>> -> memref<32x512xf32, #tpu.memory_space<hbm>>
        %dma_wait3A_237 = arith.constant 0 : i32
        %dma_wait3A_238 = tpu.memref_slice %arg5[%add3A_234, %dma_wait3A_237] : memref<65536x512xf32, #tpu.memory_space<hbm>> -> memref<32x512xf32, #tpu.memory_space<hbm>>
        tpu.wait_dma2 semaphore(%arg24 : memref<!tpu.dma_semaphore, #tpu.memory_space<semaphore_mem>>) src(%arg16 : memref<32x512xf32, #tpu.memory_space<vmem>>) dst(%dma_wait3A_238 : memref<32x512xf32, #tpu.memory_space<hbm>>)
      } else {
      }
      %scan3A_163 = arith.constant 0 : i32
      %scan3A_164 = arith.constant 0 : i32
      %scan3A_165 = arith.constant 2 : i32
      %scan3A_166 = arith.addi %scan3A_164, %scan3A_165 : i32
      %scan3A_167 = arith.constant 1 : i32
      %scan3A_168 = scf.for %scan3A_234 = %scan3A_164 to %scan3A_166 step %scan3A_167 iter_args(%scan3A_235 = %scan3A_163) -> (i32)  : i32 {
        %mul3A_236 = arith.constant 16 : i32
        %mul3A_237 = arith.muli %scan3A_234, %mul3A_236 : i32
        %add3A_238 = arith.addi %add3A_157, %mul3A_237 : i32
        %get3A = arith.index_cast %add3A_238 : i32 to index
        %get3A_239 = tpu.vector_load %arg8[%get3A] {strides = array<i32>} : memref<4096xi32, #tpu.memory_space<vmem>>, vector<16xi32>,
        %add3A_240 = vector.broadcast %mul3A_50 : i32 to vector<16xi32>
        %add3A_241 = arith.addi %get3A_239, %add3A_240 : vector<16xi32>
        %mul3A_242 = arith.constant 16 : i32
        %mul3A_243 = arith.muli %scan3A_234, %mul3A_242 : i32
        %swap3A = arith.index_cast %mul3A_243 : i32 to index
        %swap3A_244 = tpu.vector_load %arg12[%swap3A] {strides = array<i32>} : memref<32xi32, #tpu.memory_space<vmem>>, vector<16xi32>,
        tpu.vector_store %arg12[%swap3A], %add3A_241 {strides = array<i32>} : memref<32xi32, #tpu.memory_space<vmem>>, vector<16xi32>,
        %scan3A_245 = arith.constant 0 : i32
        scf.yield %scan3A_245 : i32
      }
      %scan3A_169 = arith.constant 2 : i32
      %dma_start3A_170 = arith.constant 0 : i32
      %dma_start3A_171 = arith.constant 0 : i32
      %dma_start3A_172 = tpu.memref_slice %arg2[%dma_start3A_170, %dma_start3A_171] : memref<65536x512xf32, #tpu.memory_space<hbm>> -> memref<65536x512xf32, #tpu.memory_space<hbm>>
      tpu.enqueue_indirect_dma source(%dma_start3A_172 : memref<65536x512xf32, #tpu.memory_space<hbm>>) target(%arg16 : memref<32x512xf32, #tpu.memory_space<vmem>>) offsets(%arg12 : memref<32xi32, #tpu.memory_space<vmem>>) semaphore(%arg20 : memref<!tpu.dma_semaphore, #tpu.memory_space<semaphore_mem>>)
      %mul3A_173 = arith.constant 4 : i32
      %mul3A_174 = arith.muli %scan3A_87, %mul3A_173 : i32
      %add3A_175 = arith.constant 0 : i32
      %add3A_176 = arith.addi %mul3A_174, %add3A_175 : i32
      %mul3A_177 = arith.constant 32 : i32
      %mul3A_178 = arith.muli %add3A_176, %mul3A_177 : i32
      %add3A_179 = arith.addi %mul3A_52, %mul3A_178 : i32
      %dma_wait3A_180 = arith.constant 0 : i32
      %dma_wait3A_181 = arith.constant 0 : i32
      %dma_wait3A_182 = tpu.memref_slice %arg2[%dma_wait3A_180, %dma_wait3A_181] : memref<65536x512xf32, #tpu.memory_space<hbm>> -> memref<65536x512xf32, #tpu.memory_space<hbm>>
      tpu.wait_indirect_dma semaphore(%arg17 : memref<!tpu.dma_semaphore, #tpu.memory_space<semaphore_mem>>) src(%dma_wait3A_182 : memref<65536x512xf32, #tpu.memory_space<hbm>>) dst(%arg13 : memref<32x512xf32, #tpu.memory_space<vmem>>)
      %add3A_183 = arith.addi %mul3A_50, %add3A_179 : i32
      %dma_start3A_184 = arith.constant 0 : i32
      %dma_start3A_185 = tpu.memref_slice %arg5[%add3A_183, %dma_start3A_184] : memref<65536x512xf32, #tpu.memory_space<hbm>> -> memref<32x512xf32, #tpu.memory_space<hbm>>
      %dma_start3A_186 = arith.constant 0 : i32
      %dma_start3A_187 = tpu.memref_slice %arg5[%add3A_183, %dma_start3A_186] : memref<65536x512xf32, #tpu.memory_space<hbm>> -> memref<32x512xf32, #tpu.memory_space<hbm>>
      tpu.enqueue_dma source(%arg13 : memref<32x512xf32, #tpu.memory_space<vmem>>) target(%dma_start3A_187 : memref<32x512xf32, #tpu.memory_space<hbm>>) target_semaphore(%arg21 : memref<!tpu.dma_semaphore, #tpu.memory_space<semaphore_mem>>)
      %mul3A_188 = arith.constant 4 : i32
      %mul3A_189 = arith.muli %scan3A_87, %mul3A_188 : i32
      %add3A_190 = arith.constant 1 : i32
      %add3A_191 = arith.addi %mul3A_189, %add3A_190 : i32
      %mul3A_192 = arith.constant 32 : i32
      %mul3A_193 = arith.muli %add3A_191, %mul3A_192 : i32
      %add3A_194 = arith.addi %mul3A_52, %mul3A_193 : i32
      %dma_wait3A_195 = arith.constant 0 : i32
      %dma_wait3A_196 = arith.constant 0 : i32
      %dma_wait3A_197 = tpu.memref_slice %arg2[%dma_wait3A_195, %dma_wait3A_196] : memref<65536x512xf32, #tpu.memory_space<hbm>> -> memref<65536x512xf32, #tpu.memory_space<hbm>>
      tpu.wait_indirect_dma semaphore(%arg18 : memref<!tpu.dma_semaphore, #tpu.memory_space<semaphore_mem>>) src(%dma_wait3A_197 : memref<65536x512xf32, #tpu.memory_space<hbm>>) dst(%arg14 : memref<32x512xf32, #tpu.memory_space<vmem>>)
      %add3A_198 = arith.addi %mul3A_50, %add3A_194 : i32
      %dma_start3A_199 = arith.constant 0 : i32
      %dma_start3A_200 = tpu.memref_slice %arg5[%add3A_198, %dma_start3A_199] : memref<65536x512xf32, #tpu.memory_space<hbm>> -> memref<32x512xf32, #tpu.memory_space<hbm>>
      %dma_start3A_201 = arith.constant 0 : i32
      %dma_start3A_202 = tpu.memref_slice %arg5[%add3A_198, %dma_start3A_201] : memref<65536x512xf32, #tpu.memory_space<hbm>> -> memref<32x512xf32, #tpu.memory_space<hbm>>
      tpu.enqueue_dma source(%arg14 : memref<32x512xf32, #tpu.memory_space<vmem>>) target(%dma_start3A_202 : memref<32x512xf32, #tpu.memory_space<hbm>>) target_semaphore(%arg22 : memref<!tpu.dma_semaphore, #tpu.memory_space<semaphore_mem>>)
      %mul3A_203 = arith.constant 4 : i32
      %mul3A_204 = arith.muli %scan3A_87, %mul3A_203 : i32
      %add3A_205 = arith.constant 2 : i32
      %add3A_206 = arith.addi %mul3A_204, %add3A_205 : i32
      %mul3A_207 = arith.constant 32 : i32
      %mul3A_208 = arith.muli %add3A_206, %mul3A_207 : i32
      %add3A_209 = arith.addi %mul3A_52, %mul3A_208 : i32
      %dma_wait3A_210 = arith.constant 0 : i32
      %dma_wait3A_211 = arith.constant 0 : i32
      %dma_wait3A_212 = tpu.memref_slice %arg2[%dma_wait3A_210, %dma_wait3A_211] : memref<65536x512xf32, #tpu.memory_space<hbm>> -> memref<65536x512xf32, #tpu.memory_space<hbm>>
      tpu.wait_indirect_dma semaphore(%arg19 : memref<!tpu.dma_semaphore, #tpu.memory_space<semaphore_mem>>) src(%dma_wait3A_212 : memref<65536x512xf32, #tpu.memory_space<hbm>>) dst(%arg15 : memref<32x512xf32, #tpu.memory_space<vmem>>)
      %add3A_213 = arith.addi %mul3A_50, %add3A_209 : i32
      %dma_start3A_214 = arith.constant 0 : i32
      %dma_start3A_215 = tpu.memref_slice %arg5[%add3A_213, %dma_start3A_214] : memref<65536x512xf32, #tpu.memory_space<hbm>> -> memref<32x512xf32, #tpu.memory_space<hbm>>
      %dma_start3A_216 = arith.constant 0 : i32
      %dma_start3A_217 = tpu.memref_slice %arg5[%add3A_213, %dma_start3A_216] : memref<65536x512xf32, #tpu.memory_space<hbm>> -> memref<32x512xf32, #tpu.memory_space<hbm>>
      tpu.enqueue_dma source(%arg15 : memref<32x512xf32, #tpu.memory_space<vmem>>) target(%dma_start3A_217 : memref<32x512xf32, #tpu.memory_space<hbm>>) target_semaphore(%arg23 : memref<!tpu.dma_semaphore, #tpu.memory_space<semaphore_mem>>)
      %mul3A_218 = arith.constant 4 : i32
      %mul3A_219 = arith.muli %scan3A_87, %mul3A_218 : i32
      %add3A_220 = arith.constant 3 : i32
      %add3A_221 = arith.addi %mul3A_219, %add3A_220 : i32
      %mul3A_222 = arith.constant 32 : i32
      %mul3A_223 = arith.muli %add3A_221, %mul3A_222 : i32
      %add3A_224 = arith.addi %mul3A_52, %mul3A_223 : i32
      %dma_wait3A_225 = arith.constant 0 : i32
      %dma_wait3A_226 = arith.constant 0 : i32
      %dma_wait3A_227 = tpu.memref_slice %arg2[%dma_wait3A_225, %dma_wait3A_226] : memref<65536x512xf32, #tpu.memory_space<hbm>> -> memref<65536x512xf32, #tpu.memory_space<hbm>>
      tpu.wait_indirect_dma semaphore(%arg20 : memref<!tpu.dma_semaphore, #tpu.memory_space<semaphore_mem>>) src(%dma_wait3A_227 : memref<65536x512xf32, #tpu.memory_space<hbm>>) dst(%arg16 : memref<32x512xf32, #tpu.memory_space<vmem>>)
      %add3A_228 = arith.addi %mul3A_50, %add3A_224 : i32
      %dma_start3A_229 = arith.constant 0 : i32
      %dma_start3A_230 = tpu.memref_slice %arg5[%add3A_228, %dma_start3A_229] : memref<65536x512xf32, #tpu.memory_space<hbm>> -> memref<32x512xf32, #tpu.memory_space<hbm>>
      %dma_start3A_231 = arith.constant 0 : i32
      %dma_start3A_232 = tpu.memref_slice %arg5[%add3A_228, %dma_start3A_231] : memref<65536x512xf32, #tpu.memory_space<hbm>> -> memref<32x512xf32, #tpu.memory_space<hbm>>
      tpu.enqueue_dma source(%arg16 : memref<32x512xf32, #tpu.memory_space<vmem>>) target(%dma_start3A_232 : memref<32x512xf32, #tpu.memory_space<hbm>>) target_semaphore(%arg24 : memref<!tpu.dma_semaphore, #tpu.memory_space<semaphore_mem>>)
      %scan3A_233 = arith.constant 0 : i32
      scf.yield %scan3A_233 : i32
    }
    %scan3A_59 = arith.constant 16 : i32
    %add3A_60 = arith.constant 1920 : i32
    %add3A_61 = arith.addi %mul3A_52, %add3A_60 : i32
    %add3A_62 = arith.addi %mul3A_50, %add3A_61 : i32
    %dma_wait3A = arith.constant 0 : i32
    %dma_wait3A_63 = tpu.memref_slice %arg5[%add3A_62, %dma_wait3A] : memref<65536x512xf32, #tpu.memory_space<hbm>> -> memref<32x512xf32, #tpu.memory_space<hbm>>
    %dma_wait3A_64 = arith.constant 0 : i32
    %dma_wait3A_65 = tpu.memref_slice %arg5[%add3A_62, %dma_wait3A_64] : memref<65536x512xf32, #tpu.memory_space<hbm>> -> memref<32x512xf32, #tpu.memory_space<hbm>>
    tpu.wait_dma2 semaphore(%arg21 : memref<!tpu.dma_semaphore, #tpu.memory_space<semaphore_mem>>) src(%arg13 : memref<32x512xf32, #tpu.memory_space<vmem>>) dst(%dma_wait3A_65 : memref<32x512xf32, #tpu.memory_space<hbm>>)
    %add3A_66 = arith.constant 1952 : i32
    %add3A_67 = arith.addi %mul3A_52, %add3A_66 : i32
    %add3A_68 = arith.addi %mul3A_50, %add3A_67 : i32
    %dma_wait3A_69 = arith.constant 0 : i32
    %dma_wait3A_70 = tpu.memref_slice %arg5[%add3A_68, %dma_wait3A_69] : memref<65536x512xf32, #tpu.memory_space<hbm>> -> memref<32x512xf32, #tpu.memory_space<hbm>>
    %dma_wait3A_71 = arith.constant 0 : i32
    %dma_wait3A_72 = tpu.memref_slice %arg5[%add3A_68, %dma_wait3A_71] : memref<65536x512xf32, #tpu.memory_space<hbm>> -> memref<32x512xf32, #tpu.memory_space<hbm>>
    tpu.wait_dma2 semaphore(%arg22 : memref<!tpu.dma_semaphore, #tpu.memory_space<semaphore_mem>>) src(%arg14 : memref<32x512xf32, #tpu.memory_space<vmem>>) dst(%dma_wait3A_72 : memref<32x512xf32, #tpu.memory_space<hbm>>)
    %add3A_73 = arith.constant 1984 : i32
    %add3A_74 = arith.addi %mul3A_52, %add3A_73 : i32
    %add3A_75 = arith.addi %mul3A_50, %add3A_74 : i32
    %dma_wait3A_76 = arith.constant 0 : i32
    %dma_wait3A_77 = tpu.memref_slice %arg5[%add3A_75, %dma_wait3A_76] : memref<65536x512xf32, #tpu.memory_space<hbm>> -> memref<32x512xf32, #tpu.memory_space<hbm>>
    %dma_wait3A_78 = arith.constant 0 : i32
    %dma_wait3A_79 = tpu.memref_slice %arg5[%add3A_75, %dma_wait3A_78] : memref<65536x512xf32, #tpu.memory_space<hbm>> -> memref<32x512xf32, #tpu.memory_space<hbm>>
    tpu.wait_dma2 semaphore(%arg23 : memref<!tpu.dma_semaphore, #tpu.memory_space<semaphore_mem>>) src(%arg15 : memref<32x512xf32, #tpu.memory_space<vmem>>) dst(%dma_wait3A_79 : memref<32x512xf32, #tpu.memory_space<hbm>>)
    %add3A_80 = arith.constant 2016 : i32
    %add3A_81 = arith.addi %mul3A_52, %add3A_80 : i32
    %add3A_82 = arith.addi %mul3A_50, %add3A_81 : i32
    %dma_wait3A_83 = arith.constant 0 : i32
    %dma_wait3A_84 = tpu.memref_slice %arg5[%add3A_82, %dma_wait3A_83] : memref<65536x512xf32, #tpu.memory_space<hbm>> -> memref<32x512xf32, #tpu.memory_space<hbm>>
    %dma_wait3A_85 = arith.constant 0 : i32
    %dma_wait3A_86 = tpu.memref_slice %arg5[%add3A_82, %dma_wait3A_85] : memref<65536x512xf32, #tpu.memory_space<hbm>> -> memref<32x512xf32, #tpu.memory_space<hbm>>
    tpu.wait_dma2 semaphore(%arg24 : memref<!tpu.dma_semaphore, #tpu.memory_space<semaphore_mem>>) src(%arg16 : memref<32x512xf32, #tpu.memory_space<vmem>>) dst(%dma_wait3A_86 : memref<32x512xf32, #tpu.memory_space<hbm>>)
    return
  }
}

</mosaic_0001>

<sc_bundles>
// kernel: _sc_copy.3.cloned.1.call-start
scs
__scs_entry_jumppad:
0x0: {  	(pc) =	sbr.rel $0x88, $3  }
0x1: {  	(tag) =	ssettag $0x0;
	lr =	simm.s32 $0x1  }
0x2: {  	[smem:$0x3F9E] =	sst lr;
	_ =	strace $0xD0000000  }
0x3: {  	_ = 	snop  }
0x4: {  	_ = 	snop  }
0x5: {  	_ = 	snop  }
0x6: {  	_ = 	snop  }
0x7: {  	_ = 	snop  }
__scs_overlays_trampoline_lowered:
0x8: {  	[smem:$0x3FAD] =	sst s0  }
0x9: {  	[smem:$0x3FAE] =	sst s1  }
0xa: {  	[smem:$0x3FAF] =	sst s2  }
0xb: {  	[smem:$0x3FB0] =	sst s3  }
0xc: {  	[smem:$0x3FB1] =	sst s4  }
0xd: {  	[smem:$0x3FB2] =	sst s5  }
0xe: {  	[smem:$0x3FB3] =	sst s6  }
0xf: {  	[smem:$0x3FB4] =	sst s7  }
0x10: {  	[smem:$0x3FB5] =	sst s8  }
0x11: {  	[smem:$0x3FB6] =	sst s9;
	s0 =	simm.s32 @!p0 $0x0  }
0x12: {  	s1 =	sld [smem:$0x3F9C];
	s0 =	simm.s32 @p0 $0x1  }
0x13: {  	[smem:$0x3FB7] =	sst s0;
	s0 =	simm.s32 @!p1 $0x0  }
0x14: {  	s2 =	sld [smem:$0x3F9B];
	s0 =	simm.s32 @p1 $0x1  }
0x15: {  	[smem:$0x3FB8] =	sst s0;
	s0 =	simm.s32 @!p2 $0x0  }
0x16: {  	s3 =	sld [smem:$0x3FDB];
	s0 =	simm.s32 @p2 $0x1  }
0x17: {  	s4 =	simm.s32 $0x1BF5;
	[smem:$0x3FBA] =	sst s0  }
0x18: {  	s0 =	sld [smem:$0x3F9D];
	_ =	swait.ge [sflag:s4], $0x0  }
0x19: {  	s7 =	sld [smem:$0x3F9E]  }
0x1a: {  	s8 =	sadd.s32 $0xFFFFE003, lr  }
0x1b: {  	s9 =	sadd.s32 $0xFFFFFEF7, lr;
	s5 =	simm.s32 $0xFFFFFFFF;
	p2 =	slt.u32 s8, $0xFFFFF086  }
0x1c: {  	p1 =	slt.u32 s9, $0xF7A;
	s5 =	simm.s32 @!p2 $0x0  }
0x1d: {  	s5 =	simm.s32 @p1 $0x1;
	p0 =	seq.s32 s7, s2  }
0x1e: {  	s7 =	smul.u32 @!p0 $0xF7A, s2;
	p2 =	seq.s32 @!p0 s5, $0x0  }
0x1f: {  	s9 =	smul.u32 $0xF7A, s1;
	s8 =	simm.s32 @!p0 $0x1BF5;
	p2 =	por !p2, p0  }
0x20: {  	[sflag:s8] =	ssyncset.s32 @!p0 $0xFFFFF086;
	s6 =	sadd.s32 @!p0 s3, s7;
	s7 =	simm.s32 @!p0 $0x108  }
0x21: {  	s3 =	sadd.s32 s3, s9;
	s6 =	sadd.s32 @!p0 $0x88, s6;
	s7 =	simm.s32 @p2 $0x1082  }
0x22: {  	[simem:s7], [sflag:s8] =	dma.local @!p0 [hbm:s6], $0xF7A  }
0x23: {  	s9 =	sor.u32 $0xD0000000, s2;
	s6 =	simm.s32 $0x108;
	_ =	swait.ge @!p0 [sflag:s8], $0x0  }
0x24: {  	s3 =	sadd.s32 $0x88, s3;
	s6 =	simm.s32 @!p1 $0x1082;
	[sflag:s4] =	ssyncset.s32 $0xFFFFF086  }
0x25: {  	[simem:s6], [sflag:s4] =	dma.local [hbm:s3], $0xF7A  }
0x26: {  	[smem:$0x3F9E] =	sst s1;
	(tag) =	ssettag s2;
	_ =	strace s9  }
0x27: {  	s1 =	sld [smem:$0x3FAE]  }
0x28: {  	s2 =	sld [smem:$0x3FAF]  }
0x29: {  	s4 =	sld [smem:$0x3FB1]  }
0x2a: {  	p0 =	seq.s32 s5, $0x0;
	s5 =	sld [smem:$0x3FB2]  }
0x2b: {  	s6 =	sld [smem:$0x3FB3]  }
0x2c: {  	s7 =	sld [smem:$0x3FB4]  }
0x2d: {  	s3 =	simm.s32 $0x108;
	s8 =	sld [smem:$0x3FB5]  }
0x2e: {  	s3 =	simm.s32 @!p0 $0x1082;
	s9 =	sld [smem:$0x3FB6]  }
0x2f: {  	lr =	sadd.s32 s0, s3;
	s0 =	sld [smem:$0x3FAD]  }
0x30: {  	s3 =	sld [smem:$0x3FB0]  }
0x31: {  	[smem:$0x3FB9] =	sst s10  }
0x32: {  	s10 =	sld [smem:$0x3FB7];
	_ =	sdelay $0x3  }
0x33: {  	p0 =	seq.s32 s10, $0x1;
	s10 =	sld [smem:$0x3FB9];
	_ =	sdelay $0x3  }
0x34: {  	[smem:$0x3FB9] =	sst s10  }
0x35: {  	s10 =	sld [smem:$0x3FB8];
	_ =	sdelay $0x3  }
0x36: {  	p1 =	seq.s32 s10, $0x1;
	s10 =	sld [smem:$0x3FB9];
	_ =	sdelay $0x3  }
0x37: {  	[smem:$0x3FB9] =	sst s10  }
0x38: {  	s10 =	sld [smem:$0x3FBA]  }
0x39: {  	_ = 	snop;
	(pc) =	sbr.ind lr, $3  }
0x3a: {  	_ = 	snop  }
0x3b: {  	_ = 	snop  }
0x3c: {  	p2 =	seq.s32 s10, $0x1;
	s10 =	sld [smem:$0x3FB9]  }
0x3d: {  	_ =	shalt  }
0x3e: {  	_ =	shalt  }
0x3f: {  	_ =	shalt  }
0x40: {  	_ =	shalt  }
0x41: {  	_ =	shalt  }
0x42: {  	_ =	shalt  }
0x43: {  	_ =	shalt  }
0x44: {  	_ =	shalt  }
0x45: {  	_ =	shalt  }
0x46: {  	_ =	shalt  }
0x47: {  	_ =	shalt  }
0x48: {  	_ =	shalt  }
0x49: {  	_ =	shalt  }
0x4a: {  	_ =	shalt  }
0x4b: {  	_ =	shalt  }
0x4c: {  	_ =	shalt  }
0x4d: {  	_ =	shalt  }
0x4e: {  	_ =	shalt  }
0x4f: {  	_ =	shalt  }
0x50: {  	_ =	shalt  }
0x51: {  	_ =	shalt  }
0x52: {  	_ =	shalt  }
0x53: {  	_ =	shalt  }
0x54: {  	_ =	shalt  }
0x55: {  	_ =	shalt  }
0x56: {  	_ =	shalt  }
0x57: {  	_ =	shalt  }
0x58: {  	_ =	shalt  }
0x59: {  	_ =	shalt  }
0x5a: {  	_ =	shalt  }
0x5b: {  	_ =	shalt  }
0x5c: {  	_ =	shalt  }
0x5d: {  	_ =	shalt  }
0x5e: {  	_ =	shalt  }
0x5f: {  	_ =	shalt  }
0x60: {  	_ =	shalt  }
0x61: {  	_ =	shalt  }
0x62: {  	_ =	shalt  }
0x63: {  	_ =	shalt  }
0x64: {  	_ =	shalt  }
0x65: {  	_ =	shalt  }
0x66: {  	_ =	shalt  }
0x67: {  	_ =	shalt  }
0x68: {  	_ =	shalt  }
0x69: {  	_ =	shalt  }
0x6a: {  	_ =	shalt  }
0x6b: {  	_ =	shalt  }
0x6c: {  	_ =	shalt  }
0x6d: {  	_ =	shalt  }
0x6e: {  	_ =	shalt  }
0x6f: {  	_ =	shalt  }
0x70: {  	_ =	shalt  }
0x71: {  	_ =	shalt  }
0x72: {  	_ =	shalt  }
0x73: {  	_ =	shalt  }
0x74: {  	_ =	shalt  }
0x75: {  	_ =	shalt  }
0x76: {  	_ =	shalt  }
0x77: {  	_ =	shalt  }
0x78: {  	_ =	shalt  }
0x79: {  	_ =	shalt  }
0x7a: {  	_ =	shalt  }
0x7b: {  	_ =	shalt  }
0x7c: {  	_ =	shalt  }
0x7d: {  	_ =	shalt  }
0x7e: {  	_ =	shalt  }
0x7f: {  	_ =	shalt  }
0x80: {  	_ =	shalt  }
0x81: {  	_ =	shalt  }
0x82: {  	_ =	shalt  }
0x83: {  	_ =	shalt  }
0x84: {  	_ =	shalt  }
0x85: {  	_ =	shalt  }
0x86: {  	_ =	shalt  }
0x87: {  	_ =	shalt  }
.Lfunc_end0:
.L_simem_size_0:
called_computation_lowered:
.L_overlay_start_0:
0x88: {  	s2 =	sld [smem:$0x3FD9]  }
0x89: {  	s3 =	sld [smem:$0x3FFE];
	_ =	sdelay $0x1  }
0x8a: {  	s1 =	srdreg.scid  }
0x8b: {  	s0 =	sand.u32 $0x1, s1  }
0x8c: {  	s18 =	sshll.u32 s0, $0xA;
	s2 =	sadd.s32 s3, s2  }
0x8d: {  	s2 =	sadd.s32 s2, s18  }
0x8e: {  	[smem:$0x3FC5] =	sst s2  }
0x8f: {  	_ = 	snop  }
0x90: {  	s2 =	sld [smem:$0x3FC9]  }
0x91: {  	s19 =	sld [smem:$0x3FC8]  }
0x92: {  	s4 =	sld [smem:$0x3FC7]  }
0x93: {  	s5 =	sld [smem:$0x3FD0];
	(tm) =	ssettm $0x1  }
0x94: {  	s6 =	sld [smem:$0x3FFB];
	_ =	sdelay $0x3  }
0x95: {  	_ =	strace s6  }
0x96: {  	s6 =	sld [smem:$0x3FFC];
	_ =	sdelay $0x3  }
0x97: {  	_ =	strace s6  }
0x98: {  	s6 =	sld [smem:$0x3FFD];
	_ =	sdelay $0x3  }
0x99: {  	_ =	strace s6  }
0x9a: {  	_ =	strace $0x8FFFFFFF  }
0x9b: {  	s20 =	sld [smem:$0x3FDB];
	_ =	sdelay $0x1  }
0x9c: {  	s7 =	simm.s32 $_scs_section_size  }
0x9d: {  	s8 =	simm.s32 $_size__tile_overlayer_lowered;
	s9 =	simm.s32 $_tile_overlayer_lowered  }
0x9e: {  	s23 =	simm.s32 $0x1BFF;
	s22 =	sshll.u32 s9, $0x1;
	s6 =	sadd.s32 s7, s20  }
0x9f: {  	s10 =	simm.s32 $0x0;
	s21 =	sshll.u32 s8, $0x1;
	s8 =	sadd.s32 s22, s6  }
0xa0: {  	[timem:s10], [sflag:s23] =	dma.local [hbm:s8], s21  }
0xa1: {  	_ =	swait.ge [sflag:s23], s21  }
0xa2: {  	s7 =	ssub.s32 $0x0, s21;
	[sflag:s23] =	ssyncset.done $0x0  }
0xa3: {  	[sflag:s23] =	ssyncadd.s32 s7;
	_ =	sdelay $0x1  }
0xa4: {  	s24 =	simm.s32 $0x1B8B  }
0xa5: {  	_ =	swait.ge [sflag:s24], $0x1  }
0xa6: {  	[sflag:s24] =	ssyncset.done $0x0  }
0xa7: {  	s25 =	simm.s32 $0x1B8E;
	[sflag:s24] =	ssyncadd.s32 $0xFFFFFFFF  }
0xa8: {  	s26 =	simm.s32 $execute0_lowered;
	[smem:$0x3FD2] =	sst s25  }
0xa9: {  	s7 =	sshll.u32 s26, $0x1;
	_ =	strace $0x80000046;
	[dreg:$0x1] =	wrdreg $0xFFFFFFFF  }
0xaa: {  	s28 =	simm.s32 $_size_execute0_lowered;
	s6 =	sadd.s32 s6, s7;
	[dreg:$0x0] =	wrdreg $0x0  }
0xab: {  	s7 =	sshll.u32 s28, $0x1;
	[dreg:$0x2] =	wrdreg s6  }
0xac: {  	[dreg:$0x3] =	wrdreg s7  }
0xad: {  	[dreg:$0x4] =	wrdreg $0xC0  }
0xae: {  	_ =	task [dreg:s10], $0x5FFFF  }
0xaf: {  	[dreg:$0x1] =	wrdreg $0xFFFFFFFF  }
0xb0: {  	[dreg:$0x0] =	wrdreg $0x60  }
0xb1: {  	[dreg:$0x2] =	wrdreg s2  }
0xb2: {  	[dreg:$0x3] =	wrdreg s19  }
0xb3: {  	[dreg:$0x4] =	wrdreg s4  }
0xb4: {  	[dreg:$0x5] =	wrdreg s5  }
0xb5: {  	[dreg:$0x6] =	wrdreg $0x9  }
0xb6: {  	_ =	task.clear_ibuf [dreg:s10], $0x7FFFF;
	_ =	strace $0x90000046  }
0xb7: {  	s29 =	simm.s32 $0x9;
	_ =	strace $0x80000048  }
0xb8: {  	_ =	swait.ge [sflag:s29], $0x1  }
0xb9: {  	[sflag:s29] =	ssyncadd.s32 $0xFFFFFFFF  }
0xba: {  	_ =	strace $0x90000048  }
0xbb: {  	_ =	sfence  }
0xbc: {  	s30 =	sld [smem:$0x0];
	_ =	sdelay $0x2  }
0xbd: {  	s31 =	sshll.u32 s1, $0xD;
	s1 =	sshrl.u32 s1, $0x2  }
0xbe: {  	s3 =	sand.u32 $0x4000, s31;
	s1 =	sadd.s32 s1, s30  }
0xbf: {  	s0 =	sor.u32 s3, s0;
	s1 =	sshll.u32 s1, $0x11  }
0xc0: {  	s0 =	sor.u32 s1, s0  }
0xc1: {  	s0 =	sadd.s32 $0x8F2B, s0  }
0xc2: {  	[sflag:s0] =	ssyncadd.remote.s32 $0x1  }
0xc3: {  	_ =	sfence.sel $0xFFFF  }
0xc4: {  	[dreg:$0x0] =	wrdreg $0xFFFFFFFF;
	(pc) =	sbr.abs _section_cstart, $3  }
0xc5: {  	[dreg:$0x1] =	wrdreg $0xFFFFFFFF  }
0xc6: {  	_ =	task.clear_ibuf [dreg:s10], $0x2FFFF;
	_ =	strace $0x9FFFFFFF  }
0xc7: {  	(tm) =	ssettm $0x7FFFFFFF  }
tec
execute0_lowered:
.L_overlay_start_1:
0x0: {  	(tag) =	ssettag $0x1  }
0x1: {  	s1 =	rddreg [dreg:$0x0]  }
0x2: {  	s0 =	srdreg.scid;
	s25 =	rddreg [dreg:$0x3];
	s5 =	simm.s32 $0x0  }
0x3: {  	s7 =	stileid.u32;
	s6 =	simm.s32 $0x4200;
	[smem:$0x7FF] =	sst s5  }
0x4: {  	s8 =	simm.s32 $0x4A00;
	_ =	strace $0x80000047;
	[dreg:$0x7] =	wrdreg s6  }
0x5: {  	s3 =	simm.s32 $0xFFFFFFFF;
	s10 =	simm.s32 $0x5200;
	[dreg:$0x8] =	wrdreg s8  }
0x6: {  	s12 =	simm.s32 $0x5A00;
	s13 =	simm.s32 $0x6200;
	[dreg:$0x9] =	wrdreg s10  }
0x7: {  	s14 =	simm.s32 $0x6A00;
	s15 =	simm.s32 $0x7A00;
	[dreg:$0xa] =	wrdreg s12  }
0x8: {  	s16 =	simm.s32 $0x8200;
	s17 =	simm.s32 $0x8A00;
	[dreg:$0xb] =	wrdreg s13  }
0x9: {  	s18 =	simm.s32 $0x9200;
	s19 =	simm.s32 $0x9A00;
	[dreg:$0xc] =	wrdreg s14  }
0xa: {  	s20 =	simm.s32 $0xA200;
	s21 =	simm.s32 $0xAA00;
	[dreg:$0xd] =	wrdreg s15  }
0xb: {  	s22 =	simm.s32 $0xBA00;
	s23 =	simm.s32 $0xC200;
	[dreg:$0xe] =	wrdreg s16  }
0xc: {  	s24 =	simm.s32 $0xCA00;
	s28 =	simm.s32 $0x3;
	[dreg:$0xf] =	wrdreg s17  }
0xd: {  	s29 =	simm.s32 $0x4;
	s30 =	simm.s32 $0x5;
	[dreg:$0x10] =	wrdreg s18  }
0xe: {  	s31 =	simm.s32 $0x6;
	s0 =	sand.u32 $0x1, s0;
	[dreg:$0x11] =	wrdreg s19  }
0xf: {  	s4 =	sshll.u32 s7, $0x12;
	s2 =	sor.u32 s0, s7;
	[dreg:$0x12] =	wrdreg s20  }
0x10: {  	p1 =	seq.s32 s0, $0x1;
	s26 =	sshll.u32 s0, $0x11;
	[dreg:$0x13] =	wrdreg s21  }
0x11: {  	s9 =	ssub.s32 $0x2, s0;
	s6 =	simm.s32 $0x1;
	[dreg:$0x14] =	wrdreg s22  }
0x12: {  	s0 =	sshll.u32 s0, $0xB;
	s10 =	simm.s32 $0x9;
	[dreg:$0x15] =	wrdreg s23  }
0x13: {  	s12 =	simm.s32 $0x2000;
	[dreg:$0x16] =	wrdreg s24;
	s13 =	simm.s32 $0x3200  }
0x14: {  	s14 =	simm.s32 $0x7200;
	s15 =	simm.s32 $0xB200;
	s16 =	simm.s32 $0xE200  }
0x15: {  	s17 =	simm.s32 $0xEA00;
	s18 =	simm.s32 $0xF200;
	s19 =	simm.s32 $0xFA00  }
0x16: {  	s20 =	simm.s32 $0x10200;
	s21 =	simm.s32 $0x10A00;
	s22 =	simm.s32 $0x11200  }
0x17: {  	s23 =	simm.s32 $0x11A00;
	s24 =	simm.s32 $0x12200;
	p0 =	seq.s32 s2, $0x0  }
0x18: {  	s2 =	sadd.s32 s4, s25;
	s4 =	simm.s32 $0x3A00;
	p0 =	por !p0, !p1  }
0x19: {  	s11 =	sshrl.u32 s9, $0x1;
	s0 =	sor.u32 $0x2040, s0;
	p0 =	por !p0, !p0  }
0x1a: {  	s25 =	simm.s32 $0xD200;
	[dreg:$0x6] =	wrdreg s4;
	s3 =	simm.s32 @!p0 $0x0  }
0x1b: {  	v0 =	vimm.s32 $0xFFEDCBA9;
	v1 =	vimm.s32 $0x87654321;
	s4 =	simm.s32 $0x1;
	[dreg:$0x1a] =	wrdreg s0;
	s3 =	sshll.u32 s3, $0x12  }
0x1c: {  	v0 =	vunpack.c.l.s4.s8 v0;
	v1 =	vunpack.c.l.s4.s8 v1;
	[dreg:$0x17] =	wrdreg s25;
	s25 =	simm.s32 $0x12A00;
	s2 =	sadd.s32 s3, s2  }
0x1d: {  	s0 =	simm.s32 $0x8;
	s3 =	ssub.s32 s9, s11;
	s2 =	sadd.s32 s26, s2  }
0x1e: {  	v3 =	vunpack.c.0.s8.s32 v0;
	v4 =	vunpack.c.0.s8.s32 v1;
	v0 =	vlaneseq.u32;
	s4 =	simm.s32 @!p0 $0x0;
	s3 =	smax.u32 s3, $0x1;
	[dreg:$0x5] =	wrdreg s2  }
0x1f: {  	vm0 =	vcmask $0x3F3C;
	vm1 =	vmmov $0xffff;
	v2 =	vor.u32 $0x80000000, v0;
	s4 =	ssub.s32 s7, s4;
	s26 =	simm.s32 $0xDA00;
	[dreg:$0x19] =	wrdreg s3  }
0x20: {  	v5 =	vshrl.u32 v0, $0x3;
	v6 =	vor.u32 $0x8, v0;
	v3 =	vcombine.low v4, v3;
	s7 =	sadd.s32 $0x100, s1;
	s4 =	sshll.u32 s4, $0xC;
	[dreg:$0x18] =	wrdreg s26  }
0x21: {  	v4 =	vand.u32 $0x7, v0;
	v5 =	vmul.u32 $0x8, v5;
	v1 =	vmov s4;
	s26 =	simm.s32 $0x2;
	s3 =	simm.s32 $0x7;
	s2 =	simm.s32 $0x0  }
.LBB2_1:
0x22: {  	s4 =	rddreg [dreg:$0x1]  }
0x23: {  	[tilespmem:s5], [sflag:$0x9] =	stream.linear.gather [hbm4b:s4+s5], $0x1000, $0x38;
	[tilespmem:$0x13200] =	vst v63  }
0x24: {  	_ =	swait.ge [sflag:s10], $0x1000  }
0x25: {  	[sflag:s10] =	ssyncset.done $0x0  }
0x26: {  	[sflag:s10] =	ssyncadd.s32 $0xFFFFF000  }
0x27: {  	s8 =	simm.s32 $0x1000;
	s11 =	rddreg [dreg:$0x2]  }
0x28: {  	[tilespmem:s8], [sflag:$0x9] =	stream.linear.gather [hbm4b:s11+s5], $0x1000, $0x38;
	[tilespmem:$0x13200] =	vst v63  }
0x29: {  	_ =	swait.ge [sflag:s10], $0x1000  }
0x2a: {  	[sflag:s10] =	ssyncset.done $0x0  }
0x2b: {  	v7 =	vor.u32 s5, v0;
	[sflag:s10] =	ssyncadd.s32 $0xFFFFF000  }
0x2c: {  	s9 =	simm.s32 $0x2000;
	s8 =	simm.s32 $0x10;
	[tilespmem:s12+$0x0] =	vst v7  }
.LBB2_2:
0x2d: {  	p0 =	sne.s32 s8, $0xFF0  }
.Ltmp0:
0x2e: {  	_ = 	snop;
	(pc) =	sbr.rel @p0 .LBB2_2-.Ltmp0, $3  }
0x2f: {  	_ =	sdelay $0x1  }
0x30: {  	v7 =	vor.u32 s8, v0;
	s8 =	sadd.s32 $0x10, s8;
	s9 =	sadd.s32 $0x10, s9  }
0x31: {  	s4 =	simm.s32 $0x0;
	[tilespmem:s9+$0x0] =	vst v7  }
0x32: {  	s8 =	simm.s32 $0x0;
	s9 =	simm.s32 $0x40  }
.LBB2_4:
0x33: {  	p0 =	sne.s32 s9, $0x3FC0;
	v7 =	vld [tilespmem:s8+$0x0];
	_ =	sdelay $0x1  }
0x34: {  	v8 =	vld [tilespmem:s8+$0x1000];
	_ =	sdelay $0x2  }
0x35: {  	v7 =	vshll.u32 v7, $0x4  }
0x36: {  	v7 =	vxor.u32 v2, v7  }
0x37: {  	(xrf1) =	vsort.ascd.msk.u32 $0xffff, v7, v8;
	_ =	sdelay $0xd  }
0x38: {  	v7, v8, _ =	vpop (xrf1)  }
0x39: {  	v7 =	vshra.s32 v7, $0x4  }
0x3a: {  	v7 =	vxor.u32 $0xF8000000, v7  }
0x3b: {  	v9 =	vperm.xlane v7, v3;
	_ =	sdelay $0x1  }
0x3c: {  	vm2 =	vne.s32 v7, v9  }
0x3d: {  	vm2 =	vmor vm2, vm0;
	_ =	sdelay $0x1  }
.Ltmp1:
0x3e: {  	(pc) =	sbr.rel @p0 .LBB2_4-.Ltmp1, $2  }
0x3f: {  	_ =	sdelay $0x2  }
0x40: {  	s8 =	sshra.s32 s9, $0x2;
	s9 =	sadd.s32 $0x40, s9;
	[tilespmem:v7+s12+$0x0] =	vst.idx.msk vm2, v8  }
0x41: {  	v7 =	vld [tilespmem:s8+$0x0];
	_ =	sdelay $0x1  }
0x42: {  	v8 =	vld [tilespmem:s8+$0x1000];
	_ =	sdelay $0x2  }
0x43: {  	v7 =	vshll.u32 v7, $0x4  }
0x44: {  	v7 =	vxor.u32 v2, v7  }
0x45: {  	(xrf1) =	vsort.ascd.msk.u32 $0xffff, v7, v8;
	_ =	sdelay $0xd  }
0x46: {  	v7, v8, _ =	vpop (xrf1)  }
0x47: {  	v7 =	vshra.s32 v7, $0x4  }
0x48: {  	v7 =	vxor.u32 $0xF8000000, v7  }
0x49: {  	v9 =	vperm.xlane v7, v3;
	_ =	sdelay $0x1  }
0x4a: {  	vm2 =	vne.s32 v7, v9  }
0x4b: {  	vm2 =	vmor vm2, vm0;
	_ =	sdelay $0x5  }
0x4c: {  	s9 =	rddreg [dreg:$0x1a];
	[tilespmem:v7+s12+$0x0] =	vst.idx.msk vm2, v8  }
.LBB2_6:
0x4d: {  	p0 =	seq.s32 s4, $0x0  }
0x4e: {  	s8 =	simm.s32 @!p0 $0x5  }
0x4f: {  	_ =	swait.ge @!p0 [sflag:s8], $0x4000  }
0x50: {  	[sflag:s8] =	ssyncset.done @!p0 $0x0  }
0x51: {  	[sflag:s8] =	ssyncadd.s32 @!p0 $0xFFFFC000  }
0x52: {  	v7 =	vld [tilespmem:s9+$0xFFFFFFC0];
	_ =	sdelay $0x4  }
0x53: {  	v8 =	vadd.s32 v1, v7  }
0x54: {  	v9 =	vshll.u32 v8, $0x2  }
0x55: {  	v7 =	vand.u32 $0x7, v7;
	v9 =	vand.u32 $0xFFFFFFE0, v9  }
0x56: {  	[tilespmem:$0x3000] =	vst v8;
	v7 =	vor.u32 v7, v9  }
0x57: {  	v8 =	vld [tilespmem:s9+$0xFFFFFFD0];
	v9 =	vperm.xlane v7, v4;
	_ =	sdelay $0x1  }
0x58: {  	v9 =	vadd.s32 v5, v9;
	_ =	sdelay $0x1  }
0x59: {  	v7 =	vperm.xlane v7, v6  }
0x5a: {  	v8 =	vadd.s32 v1, v8  }
0x5b: {  	v7 =	vadd.s32 v5, v7;
	[tilespmem:$0x3010] =	vst v8  }
0x5c: {  	[tilespmem:s13], [sflag:$0x1] =	stream.indirect_vreg.gather [hbm4b:s1+s5], $0x80, v9, vm1, $0xb8;
	[tilespmem:$0x13200] =	vst v63  }
0x5d: {  	s8 =	rddreg [dreg:$0x6]  }
0x5e: {  	[tilespmem:s8], [sflag:$0x1] =	stream.indirect_vreg.gather [hbm4b:s7+s5], $0x80, v9, vm1, $0xb8;
	[tilespmem:$0x13200] =	vst v63  }
0x5f: {  	s11 =	rddreg [dreg:$0x7]  }
0x60: {  	[tilespmem:s11], [sflag:$0x1] =	stream.indirect_vreg.gather [hbm4b:s1+s5], $0x80, v7, vm1, $0xb8;
	[tilespmem:$0x13200] =	vst v63  }
0x61: {  	s8 =	rddreg [dreg:$0x8]  }
0x62: {  	[tilespmem:s8], [sflag:$0x1] =	stream.indirect_vreg.gather [hbm4b:s7+s5], $0x80, v7, vm1, $0xb8;
	[tilespmem:$0x13200] =	vst v63  }
0x63: {  	v7 =	vld [tilespmem:$0x3010];
	_ =	sdelay $0x4  }
0x64: {  	v8 =	vshll.u32 v7, $0x2  }
0x65: {  	v7 =	vand.u32 $0x7, v7;
	v8 =	vand.u32 $0xFFFFFFE0, v8  }
0x66: {  	v7 =	vor.u32 v7, v8  }
0x67: {  	v8 =	vperm.xlane v7, v4;
	_ =	sdelay $0x1  }
0x68: {  	v8 =	vadd.s32 v5, v8;
	_ =	sdelay $0x1  }
0x69: {  	v7 =	vperm.xlane v7, v6;
	_ =	sdelay $0x1  }
0x6a: {  	s8 =	rddreg [dreg:$0x9];
	v7 =	vadd.s32 v5, v7  }
0x6b: {  	[tilespmem:s8], [sflag:$0x1] =	stream.indirect_vreg.gather [hbm4b:s1+s5], $0x80, v8, vm1, $0xb8;
	[tilespmem:$0x13200] =	vst v63  }
0x6c: {  	s11 =	rddreg [dreg:$0xa]  }
0x6d: {  	[tilespmem:s11], [sflag:$0x1] =	stream.indirect_vreg.gather [hbm4b:s7+s5], $0x80, v8, vm1, $0xb8;
	[tilespmem:$0x13200] =	vst v63  }
0x6e: {  	s8 =	rddreg [dreg:$0xb]  }
0x6f: {  	[tilespmem:s8], [sflag:$0x1] =	stream.indirect_vreg.gather [hbm4b:s1+s5], $0x80, v7, vm1, $0xb8;
	[tilespmem:$0x13200] =	vst v63  }
0x70: {  	s11 =	rddreg [dreg:$0xc];
	s8 =	simm.s32 @!p0 $0x6  }
0x71: {  	[tilespmem:s11], [sflag:$0x1] =	stream.indirect_vreg.gather [hbm4b:s7+s5], $0x80, v7, vm1, $0xb8;
	[tilespmem:$0x13200] =	vst v63  }
0x72: {  	_ =	swait.ge @!p0 [sflag:s8], $0x4000  }
0x73: {  	[sflag:s8] =	ssyncset.done @!p0 $0x0  }
0x74: {  	[sflag:s8] =	ssyncadd.s32 @!p0 $0xFFFFC000  }
0x75: {  	v7 =	vld [tilespmem:s9+$0xFFFFFFE0];
	_ =	sdelay $0x4  }
0x76: {  	v8 =	vadd.s32 v1, v7  }
0x77: {  	v61 =	vshll.u32 v8, $0x2  }
0x78: {  	v7 =	vand.u32 $0x7, v7;
	v9 =	vand.u32 $0xFFFFFFE0, v61  }
0x79: {  	[tilespmem:$0x3080] =	vst v8;
	v7 =	vor.u32 v7, v9  }
0x7a: {  	v8 =	vld [tilespmem:s9+$0xFFFFFFF0];
	v9 =	vperm.xlane v7, v4;
	_ =	sdelay $0x1  }
0x7b: {  	v9 =	vadd.s32 v5, v9;
	_ =	sdelay $0x1  }
0x7c: {  	v7 =	vperm.xlane v7, v6  }
0x7d: {  	v8 =	vadd.s32 v1, v8  }
0x7e: {  	v7 =	vadd.s32 v5, v7;
	[tilespmem:$0x3090] =	vst v8  }
0x7f: {  	[tilespmem:s14], [sflag:$0x2] =	stream.indirect_vreg.gather [hbm4b:s1+s5], $0x80, v9, vm1, $0xb8;
	[tilespmem:$0x13200] =	vst v63  }
0x80: {  	s8 =	rddreg [dreg:$0xd]  }
0x81: {  	[tilespmem:s8], [sflag:$0x2] =	stream.indirect_vreg.gather [hbm4b:s7+s5], $0x80, v9, vm1, $0xb8;
	[tilespmem:$0x13200] =	vst v63  }
0x82: {  	s11 =	rddreg [dreg:$0xe]  }
0x83: {  	[tilespmem:s11], [sflag:$0x2] =	stream.indirect_vreg.gather [hbm4b:s1+s5], $0x80, v7, vm1, $0xb8;
	[tilespmem:$0x13200] =	vst v63  }
0x84: {  	s8 =	rddreg [dreg:$0xf]  }
0x85: {  	[tilespmem:s8], [sflag:$0x2] =	stream.indirect_vreg.gather [hbm4b:s7+s5], $0x80, v7, vm1, $0xb8;
	[tilespmem:$0x13200] =	vst v63  }
0x86: {  	v7 =	vld [tilespmem:$0x3090];
	_ =	sdelay $0x4  }
0x87: {  	v8 =	vshll.u32 v7, $0x2  }
0x88: {  	v7 =	vand.u32 $0x7, v7;
	v8 =	vand.u32 $0xFFFFFFE0, v8  }
0x89: {  	v7 =	vor.u32 v7, v8  }
0x8a: {  	v8 =	vperm.xlane v7, v4;
	_ =	sdelay $0x1  }
0x8b: {  	v8 =	vadd.s32 v5, v8;
	_ =	sdelay $0x1  }
0x8c: {  	v7 =	vperm.xlane v7, v6;
	_ =	sdelay $0x1  }
0x8d: {  	s8 =	rddreg [dreg:$0x10];
	v7 =	vadd.s32 v5, v7  }
0x8e: {  	[tilespmem:s8], [sflag:$0x2] =	stream.indirect_vreg.gather [hbm4b:s1+s5], $0x80, v8, vm1, $0xb8;
	[tilespmem:$0x13200] =	vst v63  }
0x8f: {  	s11 =	rddreg [dreg:$0x11]  }
0x90: {  	[tilespmem:s11], [sflag:$0x2] =	stream.indirect_vreg.gather [hbm4b:s7+s5], $0x80, v8, vm1, $0xb8;
	[tilespmem:$0x13200] =	vst v63  }
0x91: {  	s8 =	rddreg [dreg:$0x12]  }
0x92: {  	[tilespmem:s8], [sflag:$0x2] =	stream.indirect_vreg.gather [hbm4b:s1+s5], $0x80, v7, vm1, $0xb8;
	[tilespmem:$0x13200] =	vst v63  }
0x93: {  	s11 =	rddreg [dreg:$0x13];
	s8 =	simm.s32 @!p0 $0x7  }
0x94: {  	[tilespmem:s11], [sflag:$0x2] =	stream.indirect_vreg.gather [hbm4b:s7+s5], $0x80, v7, vm1, $0xb8;
	[tilespmem:$0x13200] =	vst v63  }
0x95: {  	_ =	swait.ge @!p0 [sflag:s8], $0x4000  }
0x96: {  	[sflag:s8] =	ssyncset.done @!p0 $0x0  }
0x97: {  	[sflag:s8] =	ssyncadd.s32 @!p0 $0xFFFFC000  }
0x98: {  	v7 =	vld [tilespmem:s9+$0x0];
	_ =	sdelay $0x4  }
0x99: {  	v8 =	vadd.s32 v1, v7  }
0x9a: {  	v62 =	vshll.u32 v8, $0x2  }
0x9b: {  	v7 =	vand.u32 $0x7, v7;
	v9 =	vand.u32 $0xFFFFFFE0, v62  }
0x9c: {  	[tilespmem:$0x3100] =	vst v8;
	v7 =	vor.u32 v7, v9  }
0x9d: {  	v8 =	vld [tilespmem:s9+$0x10];
	v9 =	vperm.xlane v7, v4;
	_ =	sdelay $0x1  }
0x9e: {  	v9 =	vadd.s32 v5, v9;
	_ =	sdelay $0x1  }
0x9f: {  	v7 =	vperm.xlane v7, v6  }
0xa0: {  	v8 =	vadd.s32 v1, v8  }
0xa1: {  	v7 =	vadd.s32 v5, v7;
	[tilespmem:$0x3110] =	vst v8  }
0xa2: {  	[tilespmem:s15], [sflag:$0x3] =	stream.indirect_vreg.gather [hbm4b:s1+s5], $0x80, v9, vm1, $0xb8;
	[tilespmem:$0x13200] =	vst v63  }
0xa3: {  	s8 =	rddreg [dreg:$0x14]  }
0xa4: {  	[tilespmem:s8], [sflag:$0x3] =	stream.indirect_vreg.gather [hbm4b:s7+s5], $0x80, v9, vm1, $0xb8;
	[tilespmem:$0x13200] =	vst v63  }
0xa5: {  	s11 =	rddreg [dreg:$0x15]  }
0xa6: {  	[tilespmem:s11], [sflag:$0x3] =	stream.indirect_vreg.gather [hbm4b:s1+s5], $0x80, v7, vm1, $0xb8;
	[tilespmem:$0x13200] =	vst v63  }
0xa7: {  	s8 =	rddreg [dreg:$0x16]  }
0xa8: {  	[tilespmem:s8], [sflag:$0x3] =	stream.indirect_vreg.gather [hbm4b:s7+s5], $0x80, v7, vm1, $0xb8;
	[tilespmem:$0x13200] =	vst v63  }
0xa9: {  	v7 =	vld [tilespmem:$0x3110];
	_ =	sdelay $0x4  }
0xaa: {  	v8 =	vshll.u32 v7, $0x2  }
0xab: {  	v7 =	vand.u32 $0x7, v7;
	v8 =	vand.u32 $0xFFFFFFE0, v8  }
0xac: {  	v7 =	vor.u32 v7, v8  }
0xad: {  	v8 =	vperm.xlane v7, v4;
	_ =	sdelay $0x1  }
0xae: {  	v8 =	vadd.s32 v5, v8;
	_ =	sdelay $0x1  }
0xaf: {  	v7 =	vperm.xlane v7, v6;
	_ =	sdelay $0x1  }
0xb0: {  	s8 =	rddreg [dreg:$0x17];
	v7 =	vadd.s32 v5, v7  }
0xb1: {  	[tilespmem:s8], [sflag:$0x3] =	stream.indirect_vreg.gather [hbm4b:s1+s5], $0x80, v8, vm1, $0xb8;
	[tilespmem:$0x13200] =	vst v63  }
0xb2: {  	s11 =	rddreg [dreg:$0x18]  }
0xb3: {  	[tilespmem:s11], [sflag:$0x3] =	stream.indirect_vreg.gather [hbm4b:s7+s5], $0x80, v8, vm1, $0xb8;
	[tilespmem:$0x13200] =	vst v63  }
0xb4: {  	_ = 	snop  }
0xb5: {  	[tilespmem:s16], [sflag:$0x3] =	stream.indirect_vreg.gather [hbm4b:s1+s5], $0x80, v7, vm1, $0xb8;
	[tilespmem:$0x13200] =	vst v63  }
0xb6: {  	s8 =	simm.s32 @!p0 $0x8  }
0xb7: {  	[tilespmem:s17], [sflag:$0x3] =	stream.indirect_vreg.gather [hbm4b:s7+s5], $0x80, v7, vm1, $0xb8;
	[tilespmem:$0x13200] =	vst v63  }
0xb8: {  	_ =	swait.ge @!p0 [sflag:s8], $0x4000  }
0xb9: {  	[sflag:s8] =	ssyncset.done @!p0 $0x0  }
0xba: {  	[sflag:s8] =	ssyncadd.s32 @!p0 $0xFFFFC000  }
0xbb: {  	v7 =	vld [tilespmem:s9+$0x20];
	_ =	sdelay $0x4  }
0xbc: {  	v8 =	vadd.s32 v1, v7  }
0xbd: {  	v63 =	vshll.u32 v8, $0x2  }
0xbe: {  	v7 =	vand.u32 $0x7, v7;
	v9 =	vand.u32 $0xFFFFFFE0, v63  }
0xbf: {  	[tilespmem:$0x3180] =	vst v8;
	v7 =	vor.u32 v7, v9  }
0xc0: {  	v8 =	vld [tilespmem:s9+$0x30];
	v9 =	vperm.xlane v7, v4;
	_ =	sdelay $0x1  }
0xc1: {  	v9 =	vadd.s32 v5, v9;
	_ =	sdelay $0x1  }
0xc2: {  	v7 =	vperm.xlane v7, v6  }
0xc3: {  	v8 =	vadd.s32 v1, v8  }
0xc4: {  	v7 =	vadd.s32 v5, v7;
	[tilespmem:$0x3190] =	vst v8  }
0xc5: {  	[tilespmem:s18], [sflag:$0x4] =	stream.indirect_vreg.gather [hbm4b:s1+s5], $0x80, v9, vm1, $0xb8;
	[tilespmem:$0x13200] =	vst v63  }
0xc6: {  	_ = 	snop  }
0xc7: {  	[tilespmem:s19], [sflag:$0x4] =	stream.indirect_vreg.gather [hbm4b:s7+s5], $0x80, v9, vm1, $0xb8;
	[tilespmem:$0x13200] =	vst v63  }
0xc8: {  	_ = 	snop  }
0xc9: {  	[tilespmem:s20], [sflag:$0x4] =	stream.indirect_vreg.gather [hbm4b:s1+s5], $0x80, v7, vm1, $0xb8;
	[tilespmem:$0x13200] =	vst v63  }
0xca: {  	_ = 	snop  }
0xcb: {  	[tilespmem:s21], [sflag:$0x4] =	stream.indirect_vreg.gather [hbm4b:s7+s5], $0x80, v7, vm1, $0xb8;
	[tilespmem:$0x13200] =	vst v63  }
0xcc: {  	v7 =	vld [tilespmem:$0x3190];
	_ =	sdelay $0x4  }
0xcd: {  	v8 =	vshll.u32 v7, $0x2  }
0xce: {  	v7 =	vand.u32 $0x7, v7;
	v8 =	vand.u32 $0xFFFFFFE0, v8  }
0xcf: {  	v7 =	vor.u32 v7, v8  }
0xd0: {  	v8 =	vperm.xlane v7, v4;
	_ =	sdelay $0x1  }
0xd1: {  	v8 =	vadd.s32 v5, v8;
	_ =	sdelay $0x1  }
0xd2: {  	v7 =	vperm.xlane v7, v6;
	_ =	sdelay $0x1  }
0xd3: {  	v7 =	vadd.s32 v5, v7  }
0xd4: {  	[tilespmem:s22], [sflag:$0x4] =	stream.indirect_vreg.gather [hbm4b:s1+s5], $0x80, v8, vm1, $0xb8;
	[tilespmem:$0x13200] =	vst v63  }
0xd5: {  	_ = 	snop  }
0xd6: {  	[tilespmem:s23], [sflag:$0x4] =	stream.indirect_vreg.gather [hbm4b:s7+s5], $0x80, v8, vm1, $0xb8;
	[tilespmem:$0x13200] =	vst v63  }
0xd7: {  	_ = 	snop  }
0xd8: {  	[tilespmem:s24], [sflag:$0x4] =	stream.indirect_vreg.gather [hbm4b:s1+s5], $0x80, v7, vm1, $0xb8;
	[tilespmem:$0x13200] =	vst v63  }
0xd9: {  	_ = 	snop  }
0xda: {  	[tilespmem:s25], [sflag:$0x4] =	stream.indirect_vreg.gather [hbm4b:s7+s5], $0x80, v7, vm1, $0xb8;
	[tilespmem:$0x13200] =	vst v63  }
0xdb: {  	_ =	swait.ge [sflag:s6], $0x4000  }
0xdc: {  	s11 =	rddreg [dreg:$0x5];
	[sflag:s6] =	ssyncset.done $0x0  }
0xdd: {  	[sflag:s6] =	ssyncadd.s32 $0xFFFFC000;
	s8 =	sadd.s32 s4, s11  }
0xde: {  	[hbm4b:s8+s5] =	stream.linear.scatter [tilespmem:s13], [sflag:$0x5], $0x4000, $0x38;
	[tilespmem:$0x13200] =	vst v63  }
0xdf: {  	_ =	swait.ge [sflag:s26], $0x4000  }
0xe0: {  	[sflag:s26] =	ssyncset.done $0x0  }
0xe1: {  	s11 =	sadd.s32 $0x800, s8;
	[sflag:s26] =	ssyncadd.s32 $0xFFFFC000  }
0xe2: {  	[hbm4b:s11+s5] =	stream.linear.scatter [tilespmem:s14], [sflag:$0x6], $0x4000, $0x38;
	[tilespmem:$0x13200] =	vst v63  }
0xe3: {  	_ =	swait.ge [sflag:s28], $0x4000  }
0xe4: {  	s4 =	sadd.s32 $0x2000, s4;
	[sflag:s28] =	ssyncset.done $0x0  }
0xe5: {  	p0 =	sne.s32 s4, $0x20000;
	s11 =	sadd.s32 $0x1000, s8;
	[sflag:s28] =	ssyncadd.s32 $0xFFFFC000  }
0xe6: {  	[hbm4b:s11+s5] =	stream.linear.scatter [tilespmem:s15], [sflag:$0x7], $0x4000, $0x38;
	[tilespmem:$0x13200] =	vst v63  }
.Ltmp2:
0xe7: {  	_ = 	snop;
	(pc) =	sbr.rel @p0 .LBB2_6-.Ltmp2, $4  }
0xe8: {  	_ =	swait.ge [sflag:s29], $0x4000  }
0xe9: {  	[sflag:s29] =	ssyncset.done $0x0  }
0xea: {  	s9 =	sadd.s32 $0x80, s9;
	s8 =	sadd.s32 $0x1800, s8;
	[sflag:s29] =	ssyncadd.s32 $0xFFFFC000  }
0xeb: {  	[hbm4b:s8+s5] =	stream.linear.scatter [tilespmem:s18], [sflag:$0x8], $0x4000, $0x38;
	[tilespmem:$0x13200] =	vst v63  }
0xec: {  	_ =	swait.ge [sflag:s30], $0x4000  }
0xed: {  	[sflag:s30] =	ssyncset.done $0x0  }
0xee: {  	[sflag:s30] =	ssyncadd.s32 $0xFFFFC000  }
0xef: {  	_ =	swait.ge [sflag:s31], $0x4000  }
0xf0: {  	[sflag:s31] =	ssyncset.done $0x0  }
0xf1: {  	[sflag:s31] =	ssyncadd.s32 $0xFFFFC000  }
0xf2: {  	_ =	swait.ge [sflag:s3], $0x4000  }
0xf3: {  	[sflag:s3] =	ssyncset.done $0x0  }
0xf4: {  	[sflag:s3] =	ssyncadd.s32 $0xFFFFC000  }
0xf5: {  	_ =	swait.ge [sflag:s0], $0x4000  }
0xf6: {  	s2 =	sadd.s32 $0x1, s2;
	s4 =	rddreg [dreg:$0x19]  }
0xf7: {  	p0 =	sne.s32 s2, s4  }
.Ltmp3:
0xf8: {  	_ = 	snop;
	(pc) =	sbr.rel @p0 .LBB2_1-.Ltmp3, $3  }
0xf9: {  	_ =	sdelay $0x1  }
0xfa: {  	[sflag:s0] =	ssyncset.done $0x0  }
0xfb: {  	[sflag:s0] =	ssyncadd.s32 $0xFFFFC000  }
0xfc: {  	_ =	sfence.sel $0x180000  }
0xfd: {  	[bflag:$0x0] =	sbarrier.arrive $0xFFFF  }
0xfe: {  	_ =	strace $0x90000047  }
0xff: {  	s0 =	stileid.u32;
	[bflag:$0x2] =	sbarrier.arrive $0xFFFF  }
0x100: {  	p0 =	sne.s32 s0, $0x0;
	s0 =	rddreg [dreg:$0x4]  }
0x101: {  	s0 =	sadd.s32 @!p0 $0x100000, s0  }
0x102: {  	[sflag:s0] =	ssyncadd.tile.s32 @!p0 $0x1;
	_ =	shalt  }
.Lfunc_end2:
_tile_overlayer_lowered:
.L_overlay_start_2:
0x103: {  	(tag) =	ssettag $0x2  }
0x104: {  	s0 =	rddreg [dreg:$0x0];
	s2 =	stileid.u32  }
0x105: {  	s1 =	rddreg [dreg:$0x1];
	p0 =	sne.s32 s2, $0x0  }
0x106: {  	s3 =	rddreg [dreg:$0x2];
	[bflag:$0x3] =	sbarrier.arrive $0xFFFF;
	s2 =	simm.s32 @!p0 $0x1C09  }
0x107: {  	[timem:s3], [sflag:s2] =	dma.local @!p0 [hbm:s0], s1  }
0x108: {  	s0 =	simm.s32 @!p0 $0x9  }
0x109: {  	_ =	swait.ge @!p0 [sflag:s0], s1  }
0x10a: {  	s1 =	ssub.s32 @!p0 $0x0, s1;
	[sflag:s0] =	ssyncset.done @!p0 $0x0  }
0x10b: {  	[sflag:s0] =	ssyncadd.s32 @!p0 s1  }
0x10c: {  	[bflag:$0x3] =	sbarrier.arrive $0xFFFF  }
0x10d: {  	_ =	shalt  }

</sc_bundles>
